<compile_context>
chip_gen: v7x
topology: tpu7x:2x2x1
jax: 0.10.2.dev20260603
libtpu: 0.0.44.dev20260713+nightly
codegen_flags: <defaults>
</compile_context>

<pallas_src>
import functools

import jax
import jax.numpy as jnp
from jax import lax
from jax.experimental import pallas as pl
from jax.experimental.pallas import tpu as pltpu
from jax.experimental.pallas import tpu_sc as plsc

N_NODES = 10000
N_EDGES = 320000
D = 128
NUM_GRAPHS = 64
BN_EPS = 1e-5

NC = 2
NS = 16
NW = NC * NS
EPT = N_EDGES // NW
CH = 80
NCHUNK = EPT // CH
DEPTH = 3
NBODY = NCHUNK // DEPTH * DEPTH
ZROWS = N_NODES // 10


def _sc_segment_sum(z, e_flat, zeros_blk):
    mesh = plsc.VectorSubcoreMesh(core_axis_name="c", subcore_axis_name="s")

    @functools.partial(
        pl.kernel,
        mesh=mesh,
        out_type=jax.ShapeDtypeStruct((NC, N_NODES, D), jnp.float32),
        scratch_types=(
            [pltpu.VMEM((CH,), jnp.int32)] * (2 * DEPTH)
            + [pltpu.VMEM((CH, D), jnp.float32)] * DEPTH
            + [pltpu.VMEM_SHARED((N_NODES, D), jnp.float32)]
            + [pltpu.SemaphoreType.DMA] * (2 * DEPTH)
        ),
    )
    def k(z_hbm, e_hbm, zeros_hbm, out_hbm, *scr):
        sbuf = scr[0:DEPTH]
        dbuf = scr[DEPTH:2 * DEPTH]
        rows = scr[2 * DEPTH:3 * DEPTH]
        acc = scr[3 * DEPTH]
        semE = scr[3 * DEPTH + 1:4 * DEPTH + 1]
        semR = scr[4 * DEPTH + 1:5 * DEPTH + 1]
        c = lax.axis_index("c")
        s = lax.axis_index("s")
        w = s * NC + c
        base = w * EPT

        def edma(chunk, q):
            off = base + chunk * CH
            pltpu.async_copy(e_hbm.at[pl.ds(off, CH)], sbuf[q], semE[q])
            pltpu.async_copy(
                e_hbm.at[pl.ds(N_EDGES + off, CH)], dbuf[q], semE[q])

        def edma_wait(q):
            pltpu.make_async_copy(
                e_hbm.at[pl.ds(base, CH)], sbuf[q], semE[q]).wait()
            pltpu.make_async_copy(
                e_hbm.at[pl.ds(base, CH)], dbuf[q], semE[q]).wait()

        for q in range(DEPTH):
            edma(q, q)

        @pl.when(s < 10)
        def _():
            pltpu.sync_copy(zeros_hbm, acc.at[pl.ds(s * ZROWS, ZROWS)])

        for q in range(DEPTH - 1):
            edma_wait(q)
            pltpu.async_copy(z_hbm.at[sbuf[q]], rows[q], semR[q])
        plsc.subcore_barrier()

        def body(i, carry):
            for q in range(DEPTH):
                j = DEPTH * i + q
                q2 = (q + DEPTH - 1) % DEPTH
                pltpu.make_async_copy(
                    z_hbm.at[sbuf[q]], rows[q], semR[q]).wait()
                edma_wait(q2)
                pltpu.async_copy(z_hbm.at[sbuf[q2]], rows[q2], semR[q2])
                pltpu.sync_copy(rows[q], acc.at[dbuf[q]], add=True)
                edma(jnp.minimum(j + DEPTH, NCHUNK - 1), q)
            return carry

        lax.fori_loop(0, NBODY // DEPTH, body, 0)
        for t in range(NCHUNK - NBODY):
            q = (NBODY + t) % DEPTH
            pltpu.make_async_copy(z_hbm.at[sbuf[q]], rows[q], semR[q]).wait()
            pltpu.sync_copy(rows[q], acc.at[dbuf[q]], add=True)
        for t in range(DEPTH - 1 - (NCHUNK - NBODY)):
            q = (NCHUNK + t) % DEPTH
            pltpu.make_async_copy(z_hbm.at[sbuf[q]], rows[q], semR[q]).wait()
        edma_wait((NBODY - 1) % DEPTH)
        plsc.subcore_barrier()

        @pl.when(s < 10)
        def _():
            pltpu.sync_copy(
                acc.at[pl.ds(s * ZROWS, ZROWS)],
                out_hbm.at[c].at[pl.ds(s * ZROWS, ZROWS)],
            )

    return k(z, e_flat, zeros_blk)


def _mlp_bn(z_in, agg_ref, w1_ref, b1_ref, w2_ref, b2_ref, gm_ref, bt_ref):
    h = z_in + agg_ref[0] + agg_ref[1]
    h = jnp.maximum(
        jnp.dot(h, w1_ref[...], preferred_element_type=jnp.float32) + b1_ref[...],
        0.0)
    h = jnp.dot(h, w2_ref[...], preferred_element_type=jnp.float32) + b2_ref[...]
    z = jnp.maximum(h, 0.0)
    mu = jnp.mean(z, axis=0, keepdims=True)
    var = jnp.mean(z * z, axis=0, keepdims=True) - mu * mu
    return (z - mu) * lax.rsqrt(var + BN_EPS) * gm_ref[...] + bt_ref[...]


def _mlp_bn_body(x_ref, agg_ref, w1_ref, b1_ref, w2_ref, b2_ref,
                 gm_ref, bt_ref, o_ref):
    o_ref[...] = _mlp_bn(x_ref[...], agg_ref, w1_ref, b1_ref, w2_ref, b2_ref,
                         gm_ref, bt_ref)


def _tc_layer(x, agg, w1, b1, w2, b2, gm, bt):
    return pl.pallas_call(
        _mlp_bn_body,
        out_shape=jax.ShapeDtypeStruct((N_NODES, D), jnp.float32),
    )(x, agg, w1, b1, w2, b2, gm, bt)


def _mlp_bn_pool_body(z1_ref, agg_ref, w1_ref, b1_ref, w2_ref, b2_ref,
                      gm_ref, bt_ref, batch_ref, zcat_ref, gcat_ref):
    z1 = z1_ref[...]
    z2 = _mlp_bn(z1, agg_ref, w1_ref, b1_ref, w2_ref, b2_ref, gm_ref, bt_ref)
    zcat_ref[:, :D] = z1
    zcat_ref[:, D:] = z2
    onehot_t = (lax.broadcasted_iota(jnp.int32, (NUM_GRAPHS, 1), 0)
                == batch_ref[...]).astype(jnp.float32)
    gcat_ref[:, :D] = jnp.dot(onehot_t, z1,
                              preferred_element_type=jnp.float32)
    gcat_ref[:, D:] = jnp.dot(onehot_t, z2,
                              preferred_element_type=jnp.float32)


def _tc_layer_pool(z1, agg, w1, b1, w2, b2, gm, bt, batch_row):
    return pl.pallas_call(
        _mlp_bn_pool_body,
        out_shape=(
            jax.ShapeDtypeStruct((N_NODES, 2 * D), jnp.float32),
            jax.ShapeDtypeStruct((NUM_GRAPHS, 2 * D), jnp.float32),
        ),
    )(z1, agg, w1, b1, w2, b2, gm, bt, batch_row)


def kernel(x, edge_index, batch, W1_0, b1_0, W2_0, b2_0, gamma_0, beta_0,
           W1_1, b1_1, W2_1, b2_1, gamma_1, beta_1):
    e_flat = edge_index.reshape(-1)
    zeros_blk = jnp.zeros((ZROWS, D), jnp.float32)
    batch_row = batch.reshape(1, N_NODES)

    def row(v):
        return v.reshape(1, D)

    agg1 = _sc_segment_sum(x, e_flat, zeros_blk)
    z1 = _tc_layer(x, agg1, W1_0, row(b1_0), W2_0, row(b2_0),
                   row(gamma_0), row(beta_0))
    agg2 = _sc_segment_sum(z1, e_flat, zeros_blk)
    z_cat, g_cat = _tc_layer_pool(z1, agg2, W1_1, row(b1_1), W2_1, row(b2_1),
                                  row(gamma_1), row(beta_1), batch_row)
    return (z_cat, g_cat)

# --- scband reference (transcript-rebuilt; emitter-appended) ---
"""Pipeline reference for scband-gconv-6322191859838 (READ-ONLY COPY).

The authoritative reference and input builder live on the scoring server;
editing this copy changes nothing except your own understanding.
"""

import jax, jax.numpy as jnp
import numpy as np

N_NODES = 10000
N_EDGES = 320000
D_IN = 128
HID = 128
NUM_GRAPHS = 64
BN_EPS = 1e-5


def setup_inputs(seed: int = 0) -> dict:
    key = jax.random.key(seed)
    ks = jax.random.split(key, 8)
    inp = {}
    inp["x"] = jax.random.normal(ks[0], (N_NODES, D_IN), dtype=jnp.float32)
    inp["edge_index"] = jax.random.randint(ks[1], (2, N_EDGES), 0, N_NODES, dtype=jnp.int32)
    inp["batch"] = jnp.sort(jax.random.randint(ks[2], (N_NODES,), 0, NUM_GRAPHS, dtype=jnp.int32))
    dims = [(D_IN, HID), (HID, HID)]
    for l, (din, dh) in enumerate(dims):
        k = jax.random.fold_in(key, 100 + l)
        k1, k2 = jax.random.split(k)
        inp[f"W1_{l}"] = jax.random.normal(k1, (din, dh), dtype=jnp.float32) / np.sqrt(din)
        inp[f"b1_{l}"] = jnp.zeros((dh,), dtype=jnp.float32)
        inp[f"W2_{l}"] = jax.random.normal(k2, (dh, dh), dtype=jnp.float32) / np.sqrt(dh)
        inp[f"b2_{l}"] = jnp.zeros((dh,), dtype=jnp.float32)
        inp[f"gamma_{l}"] = jnp.ones((dh,), dtype=jnp.float32)
        inp[f"beta_{l}"] = jnp.zeros((dh,), dtype=jnp.float32)
    return inp


def reference(x, edge_index, batch, W1_0, b1_0, W2_0, b2_0, gamma_0, beta_0, W1_1, b1_1, W2_1, b2_1, gamma_1, beta_1):
    src = edge_index[0]
    dst = edge_index[1]

    def gin_conv(z, W1, b1, W2, b2):
        # GINConv with eps=0: MLP((1+eps)*x + sum_{j in N(i)} x_j)
        agg = jax.ops.segment_sum(z[src], dst, num_segments=N_NODES)
        h = z + agg
        h = jnp.maximum(h @ W1 + b1, 0.0)
        return h @ W2 + b2

    def batch_norm(z, gamma, beta):
        # BatchNorm1d in training mode: biased batch statistics over nodes
        mu = jnp.mean(z, axis=0)
        var = jnp.var(z, axis=0)
        return (z - mu) / jnp.sqrt(var + BN_EPS) * gamma + beta

    layers = [(W1_0, b1_0, W2_0, b2_0, gamma_0, beta_0), (W1_1, b1_1, W2_1, b2_1, gamma_1, beta_1)]
    z = x
    zs = []
    for (W1, b1, W2, b2, gamma, beta) in layers:
        z = gin_conv(z, W1, b1, W2, b2)
        z = jnp.maximum(z, 0.0)  # activation = ReLU
        z = batch_norm(z, gamma, beta)
        zs.append(z)
    gs = [jax.ops.segment_sum(zz, batch, num_segments=NUM_GRAPHS) for zz in zs]
    z_cat = jnp.concatenate(zs, axis=1)
    g_cat = jnp.concatenate(gs, axis=1)
    return (z_cat, g_cat)

if __name__ == "__main__":
    import jax
    _d = setup_inputs()
    print(jax.jit(kernel)(*tuple(_d.values())))

</pallas_src>

<mosaic_0001>
#map = affine_map<(d0, d1) -> (0, 0)>
#map1 = affine_map<(d0, d1) -> (0)>
#map2 = affine_map<(d0, d1) -> (0, 0, 0)>
module attributes {stable_mosaic.version = 14 : i64} {
  func.func @k(%arg0: i32, %arg1: i32, %arg2: memref<10000x128xf32, #tpu.memory_space<hbm>>, %arg3: memref<640000xi32, #tpu.memory_space<hbm>>, %arg4: memref<1000x128xf32, #tpu.memory_space<hbm>>, %arg5: memref<2x10000x128xf32, #tpu.memory_space<hbm>>, %arg6: memref<80xi32, #tpu.memory_space<vmem>>, %arg7: memref<80xi32, #tpu.memory_space<vmem>>, %arg8: memref<80xi32, #tpu.memory_space<vmem>>, %arg9: memref<80xi32, #tpu.memory_space<vmem>>, %arg10: memref<80xi32, #tpu.memory_space<vmem>>, %arg11: memref<80xi32, #tpu.memory_space<vmem>>, %arg12: memref<80x128xf32, #tpu.memory_space<vmem>>, %arg13: memref<80x128xf32, #tpu.memory_space<vmem>>, %arg14: memref<80x128xf32, #tpu.memory_space<vmem>>, %arg15: memref<10000x128xf32, #tpu.memory_space<vmem_shared>>, %arg16: memref<!tpu.dma_semaphore, #tpu.memory_space<semaphore_mem>>, %arg17: memref<!tpu.dma_semaphore, #tpu.memory_space<semaphore_mem>>, %arg18: memref<!tpu.dma_semaphore, #tpu.memory_space<semaphore_mem>>, %arg19: memref<!tpu.dma_semaphore, #tpu.memory_space<semaphore_mem>>, %arg20: memref<!tpu.dma_semaphore, #tpu.memory_space<semaphore_mem>>, %arg21: memref<!tpu.dma_semaphore, #tpu.memory_space<semaphore_mem>>) attributes {dimension_semantics = [#tpu.dimension_semantics<core_parallel>, #tpu.dimension_semantics<subcore_parallel>], iteration_bounds = array<i64: 2, 16>, scalar_prefetch = 0 : i64, scratch_operands = 16 : i64, tpu.core_type = #tpu.core_type<sc_vector_subcore>, window_params = [{transform_indices = #map}, {transform_indices = #map1}, {transform_indices = #map}, {transform_indices = #map2}]} {
    %mul3A = arith.constant 2 : i32
    %mul3A_0 = arith.muli %arg1, %mul3A : i32
    %add3A = arith.addi %mul3A_0, %arg0 : i32
    %mul3A_1 = arith.constant 10000 : i32
    %mul3A_2 = arith.muli %add3A, %mul3A_1 : i32
    %add3A_3 = arith.constant 0 : i32
    %add3A_4 = arith.addi %mul3A_2, %add3A_3 : i32
    %dma_start3A = tpu.memref_slice %arg3[%add3A_4] : memref<640000xi32, #tpu.memory_space<hbm>> -> memref<80xi32, #tpu.memory_space<hbm>>
    %dma_start3A_5 = tpu.memref_slice %arg3[%add3A_4] : memref<640000xi32, #tpu.memory_space<hbm>> -> memref<80xi32, #tpu.memory_space<hbm>>
    tpu.enqueue_dma source(%dma_start3A_5 : memref<80xi32, #tpu.memory_space<hbm>>) target(%arg6 : memref<80xi32, #tpu.memory_space<vmem>>) target_semaphore(%arg16 : memref<!tpu.dma_semaphore, #tpu.memory_space<semaphore_mem>>)
    %add3A_6 = arith.constant 320000 : i32
    %add3A_7 = arith.addi %add3A_6, %add3A_4 : i32
    %dma_start3A_8 = tpu.memref_slice %arg3[%add3A_7] : memref<640000xi32, #tpu.memory_space<hbm>> -> memref<80xi32, #tpu.memory_space<hbm>>
    %dma_start3A_9 = tpu.memref_slice %arg3[%add3A_7] : memref<640000xi32, #tpu.memory_space<hbm>> -> memref<80xi32, #tpu.memory_space<hbm>>
    tpu.enqueue_dma source(%dma_start3A_9 : memref<80xi32, #tpu.memory_space<hbm>>) target(%arg9 : memref<80xi32, #tpu.memory_space<vmem>>) target_semaphore(%arg16 : memref<!tpu.dma_semaphore, #tpu.memory_space<semaphore_mem>>)
    %add3A_10 = arith.constant 80 : i32
    %add3A_11 = arith.addi %mul3A_2, %add3A_10 : i32
    %dma_start3A_12 = tpu.memref_slice %arg3[%add3A_11] : memref<640000xi32, #tpu.memory_space<hbm>> -> memref<80xi32, #tpu.memory_space<hbm>>
    %dma_start3A_13 = tpu.memref_slice %arg3[%add3A_11] : memref<640000xi32, #tpu.memory_space<hbm>> -> memref<80xi32, #tpu.memory_space<hbm>>
    tpu.enqueue_dma source(%dma_start3A_13 : memref<80xi32, #tpu.memory_space<hbm>>) target(%arg7 : memref<80xi32, #tpu.memory_space<vmem>>) target_semaphore(%arg17 : memref<!tpu.dma_semaphore, #tpu.memory_space<semaphore_mem>>)
    %add3A_14 = arith.constant 320000 : i32
    %add3A_15 = arith.addi %add3A_14, %add3A_11 : i32
    %dma_start3A_16 = tpu.memref_slice %arg3[%add3A_15] : memref<640000xi32, #tpu.memory_space<hbm>> -> memref<80xi32, #tpu.memory_space<hbm>>
    %dma_start3A_17 = tpu.memref_slice %arg3[%add3A_15] : memref<640000xi32, #tpu.memory_space<hbm>> -> memref<80xi32, #tpu.memory_space<hbm>>
    tpu.enqueue_dma source(%dma_start3A_17 : memref<80xi32, #tpu.memory_space<hbm>>) target(%arg10 : memref<80xi32, #tpu.memory_space<vmem>>) target_semaphore(%arg17 : memref<!tpu.dma_semaphore, #tpu.memory_space<semaphore_mem>>)
    %add3A_18 = arith.constant 160 : i32
    %add3A_19 = arith.addi %mul3A_2, %add3A_18 : i32
    %dma_start3A_20 = tpu.memref_slice %arg3[%add3A_19] : memref<640000xi32, #tpu.memory_space<hbm>> -> memref<80xi32, #tpu.memory_space<hbm>>
    %dma_start3A_21 = tpu.memref_slice %arg3[%add3A_19] : memref<640000xi32, #tpu.memory_space<hbm>> -> memref<80xi32, #tpu.memory_space<hbm>>
    tpu.enqueue_dma source(%dma_start3A_21 : memref<80xi32, #tpu.memory_space<hbm>>) target(%arg8 : memref<80xi32, #tpu.memory_space<vmem>>) target_semaphore(%arg18 : memref<!tpu.dma_semaphore, #tpu.memory_space<semaphore_mem>>)
    %add3A_22 = arith.constant 320000 : i32
    %add3A_23 = arith.addi %add3A_22, %add3A_19 : i32
    %dma_start3A_24 = tpu.memref_slice %arg3[%add3A_23] : memref<640000xi32, #tpu.memory_space<hbm>> -> memref<80xi32, #tpu.memory_space<hbm>>
    %dma_start3A_25 = tpu.memref_slice %arg3[%add3A_23] : memref<640000xi32, #tpu.memory_space<hbm>> -> memref<80xi32, #tpu.memory_space<hbm>>
    tpu.enqueue_dma source(%dma_start3A_25 : memref<80xi32, #tpu.memory_space<hbm>>) target(%arg11 : memref<80xi32, #tpu.memory_space<vmem>>) target_semaphore(%arg18 : memref<!tpu.dma_semaphore, #tpu.memory_space<semaphore_mem>>)
    %lt3A = arith.constant 10 : i32
    %lt3A_26 = arith.cmpi slt, %arg1, %lt3A : i32
    %convert_element_type3A = arith.extui %lt3A_26 : i1 to i32
    %cond3A = arith.constant 0 : i32
    %cond3A_27 = arith.cmpi ne, %convert_element_type3A, %cond3A : i32
    scf.if %cond3A_27 {
      %mul3A_62 = arith.constant 1000 : i32
      %mul3A_63 = arith.muli %arg1, %mul3A_62 : i32
      "tpu.region"() ({
        %run_scoped3A = tpu.sem_alloc : memref<!tpu.dma_semaphore, #tpu.memory_space<semaphore_mem>>
        %dma_start3A_64 = arith.constant 0 : i32
        %dma_start3A_65 = tpu.memref_slice %arg15[%mul3A_63, %dma_start3A_64] : memref<10000x128xf32, #tpu.memory_space<vmem_shared>> -> memref<1000x128xf32, #tpu.memory_space<vmem_shared>>
        tpu.enqueue_dma source(%arg4 : memref<1000x128xf32, #tpu.memory_space<hbm>>) target(%dma_start3A_65 : memref<1000x128xf32, #tpu.memory_space<vmem_shared>>) target_semaphore(%run_scoped3A : memref<!tpu.dma_semaphore, #tpu.memory_space<semaphore_mem>>)
        %dma_wait3A_66 = arith.constant 0 : i32
        %dma_wait3A_67 = tpu.memref_slice %arg15[%mul3A_63, %dma_wait3A_66] : memref<10000x128xf32, #tpu.memory_space<vmem_shared>> -> memref<1000x128xf32, #tpu.memory_space<vmem_shared>>
        tpu.wait_dma2 semaphore(%run_scoped3A : memref<!tpu.dma_semaphore, #tpu.memory_space<semaphore_mem>>) src(%arg4 : memref<1000x128xf32, #tpu.memory_space<hbm>>) dst(%dma_wait3A_67 : memref<1000x128xf32, #tpu.memory_space<vmem_shared>>)
        tpu.yield
      }) : () -> ()
    } else {
    }
    %dma_wait3A = tpu.memref_slice %arg3[%mul3A_2] : memref<640000xi32, #tpu.memory_space<hbm>> -> memref<80xi32, #tpu.memory_space<hbm>>
    %dma_wait3A_28 = tpu.memref_slice %arg3[%mul3A_2] : memref<640000xi32, #tpu.memory_space<hbm>> -> memref<80xi32, #tpu.memory_space<hbm>>
    tpu.wait_dma2 semaphore(%arg16 : memref<!tpu.dma_semaphore, #tpu.memory_space<semaphore_mem>>) src(%dma_wait3A_28 : memref<80xi32, #tpu.memory_space<hbm>>) dst(%arg6 : memref<80xi32, #tpu.memory_space<vmem>>)
    %dma_wait3A_29 = tpu.memref_slice %arg3[%mul3A_2] : memref<640000xi32, #tpu.memory_space<hbm>> -> memref<80xi32, #tpu.memory_space<hbm>>
    %dma_wait3A_30 = tpu.memref_slice %arg3[%mul3A_2] : memref<640000xi32, #tpu.memory_space<hbm>> -> memref<80xi32, #tpu.memory_space<hbm>>
    tpu.wait_dma2 semaphore(%arg16 : memref<!tpu.dma_semaphore, #tpu.memory_space<semaphore_mem>>) src(%dma_wait3A_30 : memref<80xi32, #tpu.memory_space<hbm>>) dst(%arg9 : memref<80xi32, #tpu.memory_space<vmem>>)
    %dma_start3A_31 = arith.constant 0 : i32
    %dma_start3A_32 = arith.constant 0 : i32
    %dma_start3A_33 = tpu.memref_slice %arg2[%dma_start3A_31, %dma_start3A_32] : memref<10000x128xf32, #tpu.memory_space<hbm>> -> memref<10000x128xf32, #tpu.memory_space<hbm>>
    tpu.enqueue_indirect_dma source(%dma_start3A_33 : memref<10000x128xf32, #tpu.memory_space<hbm>>) target(%arg12 : memref<80x128xf32, #tpu.memory_space<vmem>>) offsets(%arg6 : memref<80xi32, #tpu.memory_space<vmem>>) semaphore(%arg19 : memref<!tpu.dma_semaphore, #tpu.memory_space<semaphore_mem>>)
    %dma_wait3A_34 = tpu.memref_slice %arg3[%mul3A_2] : memref<640000xi32, #tpu.memory_space<hbm>> -> memref<80xi32, #tpu.memory_space<hbm>>
    %dma_wait3A_35 = tpu.memref_slice %arg3[%mul3A_2] : memref<640000xi32, #tpu.memory_space<hbm>> -> memref<80xi32, #tpu.memory_space<hbm>>
    tpu.wait_dma2 semaphore(%arg17 : memref<!tpu.dma_semaphore, #tpu.memory_space<semaphore_mem>>) src(%dma_wait3A_35 : memref<80xi32, #tpu.memory_space<hbm>>) dst(%arg7 : memref<80xi32, #tpu.memory_space<vmem>>)
    %dma_wait3A_36 = tpu.memref_slice %arg3[%mul3A_2] : memref<640000xi32, #tpu.memory_space<hbm>> -> memref<80xi32, #tpu.memory_space<hbm>>
    %dma_wait3A_37 = tpu.memref_slice %arg3[%mul3A_2] : memref<640000xi32, #tpu.memory_space<hbm>> -> memref<80xi32, #tpu.memory_space<hbm>>
    tpu.wait_dma2 semaphore(%arg17 : memref<!tpu.dma_semaphore, #tpu.memory_space<semaphore_mem>>) src(%dma_wait3A_37 : memref<80xi32, #tpu.memory_space<hbm>>) dst(%arg10 : memref<80xi32, #tpu.memory_space<vmem>>)
    %dma_start3A_38 = arith.constant 0 : i32
    %dma_start3A_39 = arith.constant 0 : i32
    %dma_start3A_40 = tpu.memref_slice %arg2[%dma_start3A_38, %dma_start3A_39] : memref<10000x128xf32, #tpu.memory_space<hbm>> -> memref<10000x128xf32, #tpu.memory_space<hbm>>
    tpu.enqueue_indirect_dma source(%dma_start3A_40 : memref<10000x128xf32, #tpu.memory_space<hbm>>) target(%arg13 : memref<80x128xf32, #tpu.memory_space<vmem>>) offsets(%arg7 : memref<80xi32, #tpu.memory_space<vmem>>) semaphore(%arg20 : memref<!tpu.dma_semaphore, #tpu.memory_space<semaphore_mem>>)
    %barrier3A = arith.constant 0 : index
    tpu.barrier barrier_id(%barrier3A)
    %scan3A = arith.constant 0 : i32
    %scan3A_41 = arith.constant 0 : i32
    %scan3A_42 = arith.constant 41 : i32
    %scan3A_43 = arith.addi %scan3A_41, %scan3A_42 : i32
    %scan3A_44 = arith.constant 1 : i32
    scf.for %scan3A_62 = %scan3A_41 to %scan3A_43 step %scan3A_44  : i32 {
      %mul3A_63 = arith.constant 3 : i32
      %mul3A_64 = arith.muli %mul3A_63, %scan3A_62 : i32
      %add3A_65 = arith.constant 0 : i32
      %add3A_66 = arith.addi %mul3A_64, %add3A_65 : i32
      %dma_wait3A_67 = arith.constant 0 : i32
      %dma_wait3A_68 = arith.constant 0 : i32
      %dma_wait3A_69 = tpu.memref_slice %arg2[%dma_wait3A_67, %dma_wait3A_68] : memref<10000x128xf32, #tpu.memory_space<hbm>> -> memref<10000x128xf32, #tpu.memory_space<hbm>>
      tpu.wait_indirect_dma semaphore(%arg19 : memref<!tpu.dma_semaphore, #tpu.memory_space<semaphore_mem>>) src(%dma_wait3A_69 : memref<10000x128xf32, #tpu.memory_space<hbm>>) dst(%arg12 : memref<80x128xf32, #tpu.memory_space<vmem>>)
      %dma_wait3A_70 = tpu.memref_slice %arg3[%mul3A_2] : memref<640000xi32, #tpu.memory_space<hbm>> -> memref<80xi32, #tpu.memory_space<hbm>>
      %dma_wait3A_71 = tpu.memref_slice %arg3[%mul3A_2] : memref<640000xi32, #tpu.memory_space<hbm>> -> memref<80xi32, #tpu.memory_space<hbm>>
      tpu.wait_dma2 semaphore(%arg18 : memref<!tpu.dma_semaphore, #tpu.memory_space<semaphore_mem>>) src(%dma_wait3A_71 : memref<80xi32, #tpu.memory_space<hbm>>) dst(%arg8 : memref<80xi32, #tpu.memory_space<vmem>>)
      %dma_wait3A_72 = tpu.memref_slice %arg3[%mul3A_2] : memref<640000xi32, #tpu.memory_space<hbm>> -> memref<80xi32, #tpu.memory_space<hbm>>
      %dma_wait3A_73 = tpu.memref_slice %arg3[%mul3A_2] : memref<640000xi32, #tpu.memory_space<hbm>> -> memref<80xi32, #tpu.memory_space<hbm>>
      tpu.wait_dma2 semaphore(%arg18 : memref<!tpu.dma_semaphore, #tpu.memory_space<semaphore_mem>>) src(%dma_wait3A_73 : memref<80xi32, #tpu.memory_space<hbm>>) dst(%arg11 : memref<80xi32, #tpu.memory_space<vmem>>)
      %dma_start3A_74 = arith.constant 0 : i32
      %dma_start3A_75 = arith.constant 0 : i32
      %dma_start3A_76 = tpu.memref_slice %arg2[%dma_start3A_74, %dma_start3A_75] : memref<10000x128xf32, #tpu.memory_space<hbm>> -> memref<10000x128xf32, #tpu.memory_space<hbm>>
      tpu.enqueue_indirect_dma source(%dma_start3A_76 : memref<10000x128xf32, #tpu.memory_space<hbm>>) target(%arg14 : memref<80x128xf32, #tpu.memory_space<vmem>>) offsets(%arg8 : memref<80xi32, #tpu.memory_space<vmem>>) semaphore(%arg21 : memref<!tpu.dma_semaphore, #tpu.memory_space<semaphore_mem>>)
      "tpu.region"() ({
        %run_scoped3A = tpu.sem_alloc : memref<!tpu.dma_semaphore, #tpu.memory_space<semaphore_mem>>
        %dma_start3A_143 = arith.constant 0 : i32
        %dma_start3A_144 = arith.constant 0 : i32
        %dma_start3A_145 = tpu.memref_slice %arg15[%dma_start3A_143, %dma_start3A_144] : memref<10000x128xf32, #tpu.memory_space<vmem_shared>> -> memref<10000x128xf32, #tpu.memory_space<vmem_shared>>
        tpu.enqueue_indirect_dma source(%arg12 : memref<80x128xf32, #tpu.memory_space<vmem>>) target(%dma_start3A_145 : memref<10000x128xf32, #tpu.memory_space<vmem_shared>>) offsets(%arg9 : memref<80xi32, #tpu.memory_space<vmem>>) semaphore(%run_scoped3A : memref<!tpu.dma_semaphore, #tpu.memory_space<semaphore_mem>>) {add = true}
        %dma_wait3A_146 = arith.constant 0 : i32
        %dma_wait3A_147 = arith.constant 0 : i32
        %dma_wait3A_148 = tpu.memref_slice %arg15[%dma_wait3A_146, %dma_wait3A_147] : memref<10000x128xf32, #tpu.memory_space<vmem_shared>> -> memref<10000x128xf32, #tpu.memory_space<vmem_shared>>
        tpu.wait_indirect_dma semaphore(%run_scoped3A : memref<!tpu.dma_semaphore, #tpu.memory_space<semaphore_mem>>) src(%arg12 : memref<80x128xf32, #tpu.memory_space<vmem>>) dst(%dma_wait3A_148 : memref<10000x128xf32, #tpu.memory_space<vmem_shared>>)
        tpu.yield
      }) : () -> ()
      %add3A_77 = arith.constant 3 : i32
      %add3A_78 = arith.addi %add3A_66, %add3A_77 : i32
      %min3A = arith.constant 124 : i32
      %min3A_79 = arith.minsi %add3A_78, %min3A : i32
      %mul3A_80 = arith.constant 80 : i32
      %mul3A_81 = arith.muli %min3A_79, %mul3A_80 : i32
      %add3A_82 = arith.addi %mul3A_2, %mul3A_81 : i32
      %dma_start3A_83 = tpu.memref_slice %arg3[%add3A_82] : memref<640000xi32, #tpu.memory_space<hbm>> -> memref<80xi32, #tpu.memory_space<hbm>>
      %dma_start3A_84 = tpu.memref_slice %arg3[%add3A_82] : memref<640000xi32, #tpu.memory_space<hbm>> -> memref<80xi32, #tpu.memory_space<hbm>>
      tpu.enqueue_dma source(%dma_start3A_84 : memref<80xi32, #tpu.memory_space<hbm>>) target(%arg6 : memref<80xi32, #tpu.memory_space<vmem>>) target_semaphore(%arg16 : memref<!tpu.dma_semaphore, #tpu.memory_space<semaphore_mem>>)
      %add3A_85 = arith.constant 320000 : i32
      %add3A_86 = arith.addi %add3A_85, %add3A_82 : i32
      %dma_start3A_87 = tpu.memref_slice %arg3[%add3A_86] : memref<640000xi32, #tpu.memory_space<hbm>> -> memref<80xi32, #tpu.memory_space<hbm>>
      %dma_start3A_88 = tpu.memref_slice %arg3[%add3A_86] : memref<640000xi32, #tpu.memory_space<hbm>> -> memref<80xi32, #tpu.memory_space<hbm>>
      tpu.enqueue_dma source(%dma_start3A_88 : memref<80xi32, #tpu.memory_space<hbm>>) target(%arg9 : memref<80xi32, #tpu.memory_space<vmem>>) target_semaphore(%arg16 : memref<!tpu.dma_semaphore, #tpu.memory_space<semaphore_mem>>)
      %mul3A_89 = arith.constant 3 : i32
      %mul3A_90 = arith.muli %mul3A_89, %scan3A_62 : i32
      %add3A_91 = arith.constant 1 : i32
      %add3A_92 = arith.addi %mul3A_90, %add3A_91 : i32
      %dma_wait3A_93 = arith.constant 0 : i32
      %dma_wait3A_94 = arith.constant 0 : i32
      %dma_wait3A_95 = tpu.memref_slice %arg2[%dma_wait3A_93, %dma_wait3A_94] : memref<10000x128xf32, #tpu.memory_space<hbm>> -> memref<10000x128xf32, #tpu.memory_space<hbm>>
      tpu.wait_indirect_dma semaphore(%arg20 : memref<!tpu.dma_semaphore, #tpu.memory_space<semaphore_mem>>) src(%dma_wait3A_95 : memref<10000x128xf32, #tpu.memory_space<hbm>>) dst(%arg13 : memref<80x128xf32, #tpu.memory_space<vmem>>)
      %dma_wait3A_96 = tpu.memref_slice %arg3[%mul3A_2] : memref<640000xi32, #tpu.memory_space<hbm>> -> memref<80xi32, #tpu.memory_space<hbm>>
      %dma_wait3A_97 = tpu.memref_slice %arg3[%mul3A_2] : memref<640000xi32, #tpu.memory_space<hbm>> -> memref<80xi32, #tpu.memory_space<hbm>>
      tpu.wait_dma2 semaphore(%arg16 : memref<!tpu.dma_semaphore, #tpu.memory_space<semaphore_mem>>) src(%dma_wait3A_97 : memref<80xi32, #tpu.memory_space<hbm>>) dst(%arg6 : memref<80xi32, #tpu.memory_space<vmem>>)
      %dma_wait3A_98 = tpu.memref_slice %arg3[%mul3A_2] : memref<640000xi32, #tpu.memory_space<hbm>> -> memref<80xi32, #tpu.memory_space<hbm>>
      %dma_wait3A_99 = tpu.memref_slice %arg3[%mul3A_2] : memref<640000xi32, #tpu.memory_space<hbm>> -> memref<80xi32, #tpu.memory_space<hbm>>
      tpu.wait_dma2 semaphore(%arg16 : memref<!tpu.dma_semaphore, #tpu.memory_space<semaphore_mem>>) src(%dma_wait3A_99 : memref<80xi32, #tpu.memory_space<hbm>>) dst(%arg9 : memref<80xi32, #tpu.memory_space<vmem>>)
      %dma_start3A_100 = arith.constant 0 : i32
      %dma_start3A_101 = arith.constant 0 : i32
      %dma_start3A_102 = tpu.memref_slice %arg2[%dma_start3A_100, %dma_start3A_101] : memref<10000x128xf32, #tpu.memory_space<hbm>> -> memref<10000x128xf32, #tpu.memory_space<hbm>>
      tpu.enqueue_indirect_dma source(%dma_start3A_102 : memref<10000x128xf32, #tpu.memory_space<hbm>>) target(%arg12 : memref<80x128xf32, #tpu.memory_space<vmem>>) offsets(%arg6 : memref<80xi32, #tpu.memory_space<vmem>>) semaphore(%arg19 : memref<!tpu.dma_semaphore, #tpu.memory_space<semaphore_mem>>)
      "tpu.region"() ({
        %run_scoped3A = tpu.sem_alloc : memref<!tpu.dma_semaphore, #tpu.memory_space<semaphore_mem>>
        %dma_start3A_143 = arith.constant 0 : i32
        %dma_start3A_144 = arith.constant 0 : i32
        %dma_start3A_145 = tpu.memref_slice %arg15[%dma_start3A_143, %dma_start3A_144] : memref<10000x128xf32, #tpu.memory_space<vmem_shared>> -> memref<10000x128xf32, #tpu.memory_space<vmem_shared>>
        tpu.enqueue_indirect_dma source(%arg13 : memref<80x128xf32, #tpu.memory_space<vmem>>) target(%dma_start3A_145 : memref<10000x128xf32, #tpu.memory_space<vmem_shared>>) offsets(%arg10 : memref<80xi32, #tpu.memory_space<vmem>>) semaphore(%run_scoped3A : memref<!tpu.dma_semaphore, #tpu.memory_space<semaphore_mem>>) {add = true}
        %dma_wait3A_146 = arith.constant 0 : i32
        %dma_wait3A_147 = arith.constant 0 : i32
        %dma_wait3A_148 = tpu.memref_slice %arg15[%dma_wait3A_146, %dma_wait3A_147] : memref<10000x128xf32, #tpu.memory_space<vmem_shared>> -> memref<10000x128xf32, #tpu.memory_space<vmem_shared>>
        tpu.wait_indirect_dma semaphore(%run_scoped3A : memref<!tpu.dma_semaphore, #tpu.memory_space<semaphore_mem>>) src(%arg13 : memref<80x128xf32, #tpu.memory_space<vmem>>) dst(%dma_wait3A_148 : memref<10000x128xf32, #tpu.memory_space<vmem_shared>>)
        tpu.yield
      }) : () -> ()
      %add3A_103 = arith.constant 3 : i32
      %add3A_104 = arith.addi %add3A_92, %add3A_103 : i32
      %min3A_105 = arith.constant 124 : i32
      %min3A_106 = arith.minsi %add3A_104, %min3A_105 : i32
      %mul3A_107 = arith.constant 80 : i32
      %mul3A_108 = arith.muli %min3A_106, %mul3A_107 : i32
      %add3A_109 = arith.addi %mul3A_2, %mul3A_108 : i32
      %dma_start3A_110 = tpu.memref_slice %arg3[%add3A_109] : memref<640000xi32, #tpu.memory_space<hbm>> -> memref<80xi32, #tpu.memory_space<hbm>>
      %dma_start3A_111 = tpu.memref_slice %arg3[%add3A_109] : memref<640000xi32, #tpu.memory_space<hbm>> -> memref<80xi32, #tpu.memory_space<hbm>>
      tpu.enqueue_dma source(%dma_start3A_111 : memref<80xi32, #tpu.memory_space<hbm>>) target(%arg7 : memref<80xi32, #tpu.memory_space<vmem>>) target_semaphore(%arg17 : memref<!tpu.dma_semaphore, #tpu.memory_space<semaphore_mem>>)
      %add3A_112 = arith.constant 320000 : i32
      %add3A_113 = arith.addi %add3A_112, %add3A_109 : i32
      %dma_start3A_114 = tpu.memref_slice %arg3[%add3A_113] : memref<640000xi32, #tpu.memory_space<hbm>> -> memref<80xi32, #tpu.memory_space<hbm>>
      %dma_start3A_115 = tpu.memref_slice %arg3[%add3A_113] : memref<640000xi32, #tpu.memory_space<hbm>> -> memref<80xi32, #tpu.memory_space<hbm>>
      tpu.enqueue_dma source(%dma_start3A_115 : memref<80xi32, #tpu.memory_space<hbm>>) target(%arg10 : memref<80xi32, #tpu.memory_space<vmem>>) target_semaphore(%arg17 : memref<!tpu.dma_semaphore, #tpu.memory_space<semaphore_mem>>)
      %mul3A_116 = arith.constant 3 : i32
      %mul3A_117 = arith.muli %mul3A_116, %scan3A_62 : i32
      %add3A_118 = arith.constant 2 : i32
      %add3A_119 = arith.addi %mul3A_117, %add3A_118 : i32
      %dma_wait3A_120 = arith.constant 0 : i32
      %dma_wait3A_121 = arith.constant 0 : i32
      %dma_wait3A_122 = tpu.memref_slice %arg2[%dma_wait3A_120, %dma_wait3A_121] : memref<10000x128xf32, #tpu.memory_space<hbm>> -> memref<10000x128xf32, #tpu.memory_space<hbm>>
      tpu.wait_indirect_dma semaphore(%arg21 : memref<!tpu.dma_semaphore, #tpu.memory_space<semaphore_mem>>) src(%dma_wait3A_122 : memref<10000x128xf32, #tpu.memory_space<hbm>>) dst(%arg14 : memref<80x128xf32, #tpu.memory_space<vmem>>)
      %dma_wait3A_123 = tpu.memref_slice %arg3[%mul3A_2] : memref<640000xi32, #tpu.memory_space<hbm>> -> memref<80xi32, #tpu.memory_space<hbm>>
      %dma_wait3A_124 = tpu.memref_slice %arg3[%mul3A_2] : memref<640000xi32, #tpu.memory_space<hbm>> -> memref<80xi32, #tpu.memory_space<hbm>>
      tpu.wait_dma2 semaphore(%arg17 : memref<!tpu.dma_semaphore, #tpu.memory_space<semaphore_mem>>) src(%dma_wait3A_124 : memref<80xi32, #tpu.memory_space<hbm>>) dst(%arg7 : memref<80xi32, #tpu.memory_space<vmem>>)
      %dma_wait3A_125 = tpu.memref_slice %arg3[%mul3A_2] : memref<640000xi32, #tpu.memory_space<hbm>> -> memref<80xi32, #tpu.memory_space<hbm>>
      %dma_wait3A_126 = tpu.memref_slice %arg3[%mul3A_2] : memref<640000xi32, #tpu.memory_space<hbm>> -> memref<80xi32, #tpu.memory_space<hbm>>
      tpu.wait_dma2 semaphore(%arg17 : memref<!tpu.dma_semaphore, #tpu.memory_space<semaphore_mem>>) src(%dma_wait3A_126 : memref<80xi32, #tpu.memory_space<hbm>>) dst(%arg10 : memref<80xi32, #tpu.memory_space<vmem>>)
      %dma_start3A_127 = arith.constant 0 : i32
      %dma_start3A_128 = arith.constant 0 : i32
      %dma_start3A_129 = tpu.memref_slice %arg2[%dma_start3A_127, %dma_start3A_128] : memref<10000x128xf32, #tpu.memory_space<hbm>> -> memref<10000x128xf32, #tpu.memory_space<hbm>>
      tpu.enqueue_indirect_dma source(%dma_start3A_129 : memref<10000x128xf32, #tpu.memory_space<hbm>>) target(%arg13 : memref<80x128xf32, #tpu.memory_space<vmem>>) offsets(%arg7 : memref<80xi32, #tpu.memory_space<vmem>>) semaphore(%arg20 : memref<!tpu.dma_semaphore, #tpu.memory_space<semaphore_mem>>)
      "tpu.region"() ({
        %run_scoped3A = tpu.sem_alloc : memref<!tpu.dma_semaphore, #tpu.memory_space<semaphore_mem>>
        %dma_start3A_143 = arith.constant 0 : i32
        %dma_start3A_144 = arith.constant 0 : i32
        %dma_start3A_145 = tpu.memref_slice %arg15[%dma_start3A_143, %dma_start3A_144] : memref<10000x128xf32, #tpu.memory_space<vmem_shared>> -> memref<10000x128xf32, #tpu.memory_space<vmem_shared>>
        tpu.enqueue_indirect_dma source(%arg14 : memref<80x128xf32, #tpu.memory_space<vmem>>) target(%dma_start3A_145 : memref<10000x128xf32, #tpu.memory_space<vmem_shared>>) offsets(%arg11 : memref<80xi32, #tpu.memory_space<vmem>>) semaphore(%run_scoped3A : memref<!tpu.dma_semaphore, #tpu.memory_space<semaphore_mem>>) {add = true}
        %dma_wait3A_146 = arith.constant 0 : i32
        %dma_wait3A_147 = arith.constant 0 : i32
        %dma_wait3A_148 = tpu.memref_slice %arg15[%dma_wait3A_146, %dma_wait3A_147] : memref<10000x128xf32, #tpu.memory_space<vmem_shared>> -> memref<10000x128xf32, #tpu.memory_space<vmem_shared>>
        tpu.wait_indirect_dma semaphore(%run_scoped3A : memref<!tpu.dma_semaphore, #tpu.memory_space<semaphore_mem>>) src(%arg14 : memref<80x128xf32, #tpu.memory_space<vmem>>) dst(%dma_wait3A_148 : memref<10000x128xf32, #tpu.memory_space<vmem_shared>>)
        tpu.yield
      }) : () -> ()
      %add3A_130 = arith.constant 3 : i32
      %add3A_131 = arith.addi %add3A_119, %add3A_130 : i32
      %min3A_132 = arith.constant 124 : i32
      %min3A_133 = arith.minsi %add3A_131, %min3A_132 : i32
      %mul3A_134 = arith.constant 80 : i32
      %mul3A_135 = arith.muli %min3A_133, %mul3A_134 : i32
      %add3A_136 = arith.addi %mul3A_2, %mul3A_135 : i32
      %dma_start3A_137 = tpu.memref_slice %arg3[%add3A_136] : memref<640000xi32, #tpu.memory_space<hbm>> -> memref<80xi32, #tpu.memory_space<hbm>>
      %dma_start3A_138 = tpu.memref_slice %arg3[%add3A_136] : memref<640000xi32, #tpu.memory_space<hbm>> -> memref<80xi32, #tpu.memory_space<hbm>>
      tpu.enqueue_dma source(%dma_start3A_138 : memref<80xi32, #tpu.memory_space<hbm>>) target(%arg8 : memref<80xi32, #tpu.memory_space<vmem>>) target_semaphore(%arg18 : memref<!tpu.dma_semaphore, #tpu.memory_space<semaphore_mem>>)
      %add3A_139 = arith.constant 320000 : i32
      %add3A_140 = arith.addi %add3A_139, %add3A_136 : i32
      %dma_start3A_141 = tpu.memref_slice %arg3[%add3A_140] : memref<640000xi32, #tpu.memory_space<hbm>> -> memref<80xi32, #tpu.memory_space<hbm>>
      %dma_start3A_142 = tpu.memref_slice %arg3[%add3A_140] : memref<640000xi32, #tpu.memory_space<hbm>> -> memref<80xi32, #tpu.memory_space<hbm>>
      tpu.enqueue_dma source(%dma_start3A_142 : memref<80xi32, #tpu.memory_space<hbm>>) target(%arg11 : memref<80xi32, #tpu.memory_space<vmem>>) target_semaphore(%arg18 : memref<!tpu.dma_semaphore, #tpu.memory_space<semaphore_mem>>)
    }
    %scan3A_45 = arith.constant 41 : i32
    %dma_wait3A_46 = arith.constant 0 : i32
    %dma_wait3A_47 = arith.constant 0 : i32
    %dma_wait3A_48 = tpu.memref_slice %arg2[%dma_wait3A_46, %dma_wait3A_47] : memref<10000x128xf32, #tpu.memory_space<hbm>> -> memref<10000x128xf32, #tpu.memory_space<hbm>>
    tpu.wait_indirect_dma semaphore(%arg19 : memref<!tpu.dma_semaphore, #tpu.memory_space<semaphore_mem>>) src(%dma_wait3A_48 : memref<10000x128xf32, #tpu.memory_space<hbm>>) dst(%arg12 : memref<80x128xf32, #tpu.memory_space<vmem>>)
    "tpu.region"() ({
      %run_scoped3A = tpu.sem_alloc : memref<!tpu.dma_semaphore, #tpu.memory_space<semaphore_mem>>
      %dma_start3A_62 = arith.constant 0 : i32
      %dma_start3A_63 = arith.constant 0 : i32
      %dma_start3A_64 = tpu.memref_slice %arg15[%dma_start3A_62, %dma_start3A_63] : memref<10000x128xf32, #tpu.memory_space<vmem_shared>> -> memref<10000x128xf32, #tpu.memory_space<vmem_shared>>
      tpu.enqueue_indirect_dma source(%arg12 : memref<80x128xf32, #tpu.memory_space<vmem>>) target(%dma_start3A_64 : memref<10000x128xf32, #tpu.memory_space<vmem_shared>>) offsets(%arg9 : memref<80xi32, #tpu.memory_space<vmem>>) semaphore(%run_scoped3A : memref<!tpu.dma_semaphore, #tpu.memory_space<semaphore_mem>>) {add = true}
      %dma_wait3A_65 = arith.constant 0 : i32
      %dma_wait3A_66 = arith.constant 0 : i32
      %dma_wait3A_67 = tpu.memref_slice %arg15[%dma_wait3A_65, %dma_wait3A_66] : memref<10000x128xf32, #tpu.memory_space<vmem_shared>> -> memref<10000x128xf32, #tpu.memory_space<vmem_shared>>
      tpu.wait_indirect_dma semaphore(%run_scoped3A : memref<!tpu.dma_semaphore, #tpu.memory_space<semaphore_mem>>) src(%arg12 : memref<80x128xf32, #tpu.memory_space<vmem>>) dst(%dma_wait3A_67 : memref<10000x128xf32, #tpu.memory_space<vmem_shared>>)
      tpu.yield
    }) : () -> ()
    %dma_wait3A_49 = arith.constant 0 : i32
    %dma_wait3A_50 = arith.constant 0 : i32
    %dma_wait3A_51 = tpu.memref_slice %arg2[%dma_wait3A_49, %dma_wait3A_50] : memref<10000x128xf32, #tpu.memory_space<hbm>> -> memref<10000x128xf32, #tpu.memory_space<hbm>>
    tpu.wait_indirect_dma semaphore(%arg20 : memref<!tpu.dma_semaphore, #tpu.memory_space<semaphore_mem>>) src(%dma_wait3A_51 : memref<10000x128xf32, #tpu.memory_space<hbm>>) dst(%arg13 : memref<80x128xf32, #tpu.memory_space<vmem>>)
    "tpu.region"() ({
      %run_scoped3A = tpu.sem_alloc : memref<!tpu.dma_semaphore, #tpu.memory_space<semaphore_mem>>
      %dma_start3A_62 = arith.constant 0 : i32
      %dma_start3A_63 = arith.constant 0 : i32
      %dma_start3A_64 = tpu.memref_slice %arg15[%dma_start3A_62, %dma_start3A_63] : memref<10000x128xf32, #tpu.memory_space<vmem_shared>> -> memref<10000x128xf32, #tpu.memory_space<vmem_shared>>
      tpu.enqueue_indirect_dma source(%arg13 : memref<80x128xf32, #tpu.memory_space<vmem>>) target(%dma_start3A_64 : memref<10000x128xf32, #tpu.memory_space<vmem_shared>>) offsets(%arg10 : memref<80xi32, #tpu.memory_space<vmem>>) semaphore(%run_scoped3A : memref<!tpu.dma_semaphore, #tpu.memory_space<semaphore_mem>>) {add = true}
      %dma_wait3A_65 = arith.constant 0 : i32
      %dma_wait3A_66 = arith.constant 0 : i32
      %dma_wait3A_67 = tpu.memref_slice %arg15[%dma_wait3A_65, %dma_wait3A_66] : memref<10000x128xf32, #tpu.memory_space<vmem_shared>> -> memref<10000x128xf32, #tpu.memory_space<vmem_shared>>
      tpu.wait_indirect_dma semaphore(%run_scoped3A : memref<!tpu.dma_semaphore, #tpu.memory_space<semaphore_mem>>) src(%arg13 : memref<80x128xf32, #tpu.memory_space<vmem>>) dst(%dma_wait3A_67 : memref<10000x128xf32, #tpu.memory_space<vmem_shared>>)
      tpu.yield
    }) : () -> ()
    %dma_wait3A_52 = tpu.memref_slice %arg3[%mul3A_2] : memref<640000xi32, #tpu.memory_space<hbm>> -> memref<80xi32, #tpu.memory_space<hbm>>
    %dma_wait3A_53 = tpu.memref_slice %arg3[%mul3A_2] : memref<640000xi32, #tpu.memory_space<hbm>> -> memref<80xi32, #tpu.memory_space<hbm>>
    tpu.wait_dma2 semaphore(%arg18 : memref<!tpu.dma_semaphore, #tpu.memory_space<semaphore_mem>>) src(%dma_wait3A_53 : memref<80xi32, #tpu.memory_space<hbm>>) dst(%arg8 : memref<80xi32, #tpu.memory_space<vmem>>)
    %dma_wait3A_54 = tpu.memref_slice %arg3[%mul3A_2] : memref<640000xi32, #tpu.memory_space<hbm>> -> memref<80xi32, #tpu.memory_space<hbm>>
    %dma_wait3A_55 = tpu.memref_slice %arg3[%mul3A_2] : memref<640000xi32, #tpu.memory_space<hbm>> -> memref<80xi32, #tpu.memory_space<hbm>>
    tpu.wait_dma2 semaphore(%arg18 : memref<!tpu.dma_semaphore, #tpu.memory_space<semaphore_mem>>) src(%dma_wait3A_55 : memref<80xi32, #tpu.memory_space<hbm>>) dst(%arg11 : memref<80xi32, #tpu.memory_space<vmem>>)
    %barrier3A_56 = arith.constant 0 : index
    tpu.barrier barrier_id(%barrier3A_56)
    %lt3A_57 = arith.constant 10 : i32
    %lt3A_58 = arith.cmpi slt, %arg1, %lt3A_57 : i32
    %convert_element_type3A_59 = arith.extui %lt3A_58 : i1 to i32
    %cond3A_60 = arith.constant 0 : i32
    %cond3A_61 = arith.cmpi ne, %convert_element_type3A_59, %cond3A_60 : i32
    scf.if %cond3A_61 {
      %mul3A_62 = arith.constant 1000 : i32
      %mul3A_63 = arith.muli %arg1, %mul3A_62 : i32
      %mul3A_64 = arith.constant 1000 : i32
      %mul3A_65 = arith.muli %arg1, %mul3A_64 : i32
      "tpu.region"() ({
        %run_scoped3A = tpu.sem_alloc : memref<!tpu.dma_semaphore, #tpu.memory_space<semaphore_mem>>
        %dma_start3A_66 = arith.constant 0 : i32
        %dma_start3A_67 = arith.constant 0 : i32
        %dma_start3A_68 = tpu.memref_slice %arg5[%arg0, %dma_start3A_66, %dma_start3A_67] : memref<2x10000x128xf32, #tpu.memory_space<hbm>> -> memref<1x10000x128xf32, #tpu.memory_space<hbm>>
        %dma_start3A_69 = tpu.memref_squeeze %dma_start3A_68 : memref<1x10000x128xf32, #tpu.memory_space<hbm>> -> memref<10000x128xf32, #tpu.memory_space<hbm>>
        %dma_start3A_70 = arith.constant 0 : i32
        %dma_start3A_71 = tpu.memref_slice %dma_start3A_69[%mul3A_65, %dma_start3A_70] : memref<10000x128xf32, #tpu.memory_space<hbm>> -> memref<1000x128xf32, #tpu.memory_space<hbm>>
        %dma_start3A_72 = arith.constant 0 : i32
        %dma_start3A_73 = tpu.memref_slice %arg15[%mul3A_63, %dma_start3A_72] : memref<10000x128xf32, #tpu.memory_space<vmem_shared>> -> memref<1000x128xf32, #tpu.memory_space<vmem_shared>>
        tpu.enqueue_dma source(%dma_start3A_73 : memref<1000x128xf32, #tpu.memory_space<vmem_shared>>) target(%dma_start3A_71 : memref<1000x128xf32, #tpu.memory_space<hbm>>) target_semaphore(%run_scoped3A : memref<!tpu.dma_semaphore, #tpu.memory_space<semaphore_mem>>)
        %dma_wait3A_74 = arith.constant 0 : i32
        %dma_wait3A_75 = arith.constant 0 : i32
        %dma_wait3A_76 = tpu.memref_slice %arg5[%arg0, %dma_wait3A_74, %dma_wait3A_75] : memref<2x10000x128xf32, #tpu.memory_space<hbm>> -> memref<1x10000x128xf32, #tpu.memory_space<hbm>>
        %dma_wait3A_77 = tpu.memref_squeeze %dma_wait3A_76 : memref<1x10000x128xf32, #tpu.memory_space<hbm>> -> memref<10000x128xf32, #tpu.memory_space<hbm>>
        %dma_wait3A_78 = arith.constant 0 : i32
        %dma_wait3A_79 = tpu.memref_slice %dma_wait3A_77[%mul3A_65, %dma_wait3A_78] : memref<10000x128xf32, #tpu.memory_space<hbm>> -> memref<1000x128xf32, #tpu.memory_space<hbm>>
        %dma_wait3A_80 = arith.constant 0 : i32
        %dma_wait3A_81 = tpu.memref_slice %arg15[%mul3A_63, %dma_wait3A_80] : memref<10000x128xf32, #tpu.memory_space<vmem_shared>> -> memref<1000x128xf32, #tpu.memory_space<vmem_shared>>
        tpu.wait_dma2 semaphore(%run_scoped3A : memref<!tpu.dma_semaphore, #tpu.memory_space<semaphore_mem>>) src(%dma_wait3A_81 : memref<1000x128xf32, #tpu.memory_space<vmem_shared>>) dst(%dma_wait3A_79 : memref<1000x128xf32, #tpu.memory_space<hbm>>)
        tpu.yield
      }) : () -> ()
    } else {
    }
    return
  }
}

#map = affine_map<(d0, d1) -> (0, 0)>
#map1 = affine_map<(d0, d1) -> (0)>
#map2 = affine_map<(d0, d1) -> (0, 0, 0)>
module attributes {stable_mosaic.version = 14 : i64} {
  func.func @k(%arg0: i32, %arg1: i32, %arg2: memref<10000x128xf32, #tpu.memory_space<hbm>>, %arg3: memref<640000xi32, #tpu.memory_space<hbm>>, %arg4: memref<1000x128xf32, #tpu.memory_space<hbm>>, %arg5: memref<2x10000x128xf32, #tpu.memory_space<hbm>>, %arg6: memref<80xi32, #tpu.memory_space<vmem>>, %arg7: memref<80xi32, #tpu.memory_space<vmem>>, %arg8: memref<80xi32, #tpu.memory_space<vmem>>, %arg9: memref<80xi32, #tpu.memory_space<vmem>>, %arg10: memref<80xi32, #tpu.memory_space<vmem>>, %arg11: memref<80xi32, #tpu.memory_space<vmem>>, %arg12: memref<80x128xf32, #tpu.memory_space<vmem>>, %arg13: memref<80x128xf32, #tpu.memory_space<vmem>>, %arg14: memref<80x128xf32, #tpu.memory_space<vmem>>, %arg15: memref<10000x128xf32, #tpu.memory_space<vmem_shared>>, %arg16: memref<!tpu.dma_semaphore, #tpu.memory_space<semaphore_mem>>, %arg17: memref<!tpu.dma_semaphore, #tpu.memory_space<semaphore_mem>>, %arg18: memref<!tpu.dma_semaphore, #tpu.memory_space<semaphore_mem>>, %arg19: memref<!tpu.dma_semaphore, #tpu.memory_space<semaphore_mem>>, %arg20: memref<!tpu.dma_semaphore, #tpu.memory_space<semaphore_mem>>, %arg21: memref<!tpu.dma_semaphore, #tpu.memory_space<semaphore_mem>>) attributes {dimension_semantics = [#tpu.dimension_semantics<core_parallel>, #tpu.dimension_semantics<subcore_parallel>], iteration_bounds = array<i64: 2, 16>, scalar_prefetch = 0 : i64, scratch_operands = 16 : i64, tpu.core_type = #tpu.core_type<sc_vector_subcore>, window_params = [{transform_indices = #map}, {transform_indices = #map1}, {transform_indices = #map}, {transform_indices = #map2}]} {
    %mul3A = arith.constant 2 : i32
    %mul3A_0 = arith.muli %arg1, %mul3A : i32
    %add3A = arith.addi %mul3A_0, %arg0 : i32
    %mul3A_1 = arith.constant 10000 : i32
    %mul3A_2 = arith.muli %add3A, %mul3A_1 : i32
    %add3A_3 = arith.constant 0 : i32
    %add3A_4 = arith.addi %mul3A_2, %add3A_3 : i32
    %dma_start3A = tpu.memref_slice %arg3[%add3A_4] : memref<640000xi32, #tpu.memory_space<hbm>> -> memref<80xi32, #tpu.memory_space<hbm>>
    %dma_start3A_5 = tpu.memref_slice %arg3[%add3A_4] : memref<640000xi32, #tpu.memory_space<hbm>> -> memref<80xi32, #tpu.memory_space<hbm>>
    tpu.enqueue_dma source(%dma_start3A_5 : memref<80xi32, #tpu.memory_space<hbm>>) target(%arg6 : memref<80xi32, #tpu.memory_space<vmem>>) target_semaphore(%arg16 : memref<!tpu.dma_semaphore, #tpu.memory_space<semaphore_mem>>)
    %add3A_6 = arith.constant 320000 : i32
    %add3A_7 = arith.addi %add3A_6, %add3A_4 : i32
    %dma_start3A_8 = tpu.memref_slice %arg3[%add3A_7] : memref<640000xi32, #tpu.memory_space<hbm>> -> memref<80xi32, #tpu.memory_space<hbm>>
    %dma_start3A_9 = tpu.memref_slice %arg3[%add3A_7] : memref<640000xi32, #tpu.memory_space<hbm>> -> memref<80xi32, #tpu.memory_space<hbm>>
    tpu.enqueue_dma source(%dma_start3A_9 : memref<80xi32, #tpu.memory_space<hbm>>) target(%arg9 : memref<80xi32, #tpu.memory_space<vmem>>) target_semaphore(%arg16 : memref<!tpu.dma_semaphore, #tpu.memory_space<semaphore_mem>>)
    %add3A_10 = arith.constant 80 : i32
    %add3A_11 = arith.addi %mul3A_2, %add3A_10 : i32
    %dma_start3A_12 = tpu.memref_slice %arg3[%add3A_11] : memref<640000xi32, #tpu.memory_space<hbm>> -> memref<80xi32, #tpu.memory_space<hbm>>
    %dma_start3A_13 = tpu.memref_slice %arg3[%add3A_11] : memref<640000xi32, #tpu.memory_space<hbm>> -> memref<80xi32, #tpu.memory_space<hbm>>
    tpu.enqueue_dma source(%dma_start3A_13 : memref<80xi32, #tpu.memory_space<hbm>>) target(%arg7 : memref<80xi32, #tpu.memory_space<vmem>>) target_semaphore(%arg17 : memref<!tpu.dma_semaphore, #tpu.memory_space<semaphore_mem>>)
    %add3A_14 = arith.constant 320000 : i32
    %add3A_15 = arith.addi %add3A_14, %add3A_11 : i32
    %dma_start3A_16 = tpu.memref_slice %arg3[%add3A_15] : memref<640000xi32, #tpu.memory_space<hbm>> -> memref<80xi32, #tpu.memory_space<hbm>>
    %dma_start3A_17 = tpu.memref_slice %arg3[%add3A_15] : memref<640000xi32, #tpu.memory_space<hbm>> -> memref<80xi32, #tpu.memory_space<hbm>>
    tpu.enqueue_dma source(%dma_start3A_17 : memref<80xi32, #tpu.memory_space<hbm>>) target(%arg10 : memref<80xi32, #tpu.memory_space<vmem>>) target_semaphore(%arg17 : memref<!tpu.dma_semaphore, #tpu.memory_space<semaphore_mem>>)
    %add3A_18 = arith.constant 160 : i32
    %add3A_19 = arith.addi %mul3A_2, %add3A_18 : i32
    %dma_start3A_20 = tpu.memref_slice %arg3[%add3A_19] : memref<640000xi32, #tpu.memory_space<hbm>> -> memref<80xi32, #tpu.memory_space<hbm>>
    %dma_start3A_21 = tpu.memref_slice %arg3[%add3A_19] : memref<640000xi32, #tpu.memory_space<hbm>> -> memref<80xi32, #tpu.memory_space<hbm>>
    tpu.enqueue_dma source(%dma_start3A_21 : memref<80xi32, #tpu.memory_space<hbm>>) target(%arg8 : memref<80xi32, #tpu.memory_space<vmem>>) target_semaphore(%arg18 : memref<!tpu.dma_semaphore, #tpu.memory_space<semaphore_mem>>)
    %add3A_22 = arith.constant 320000 : i32
    %add3A_23 = arith.addi %add3A_22, %add3A_19 : i32
    %dma_start3A_24 = tpu.memref_slice %arg3[%add3A_23] : memref<640000xi32, #tpu.memory_space<hbm>> -> memref<80xi32, #tpu.memory_space<hbm>>
    %dma_start3A_25 = tpu.memref_slice %arg3[%add3A_23] : memref<640000xi32, #tpu.memory_space<hbm>> -> memref<80xi32, #tpu.memory_space<hbm>>
    tpu.enqueue_dma source(%dma_start3A_25 : memref<80xi32, #tpu.memory_space<hbm>>) target(%arg11 : memref<80xi32, #tpu.memory_space<vmem>>) target_semaphore(%arg18 : memref<!tpu.dma_semaphore, #tpu.memory_space<semaphore_mem>>)
    %lt3A = arith.constant 10 : i32
    %lt3A_26 = arith.cmpi slt, %arg1, %lt3A : i32
    %convert_element_type3A = arith.extui %lt3A_26 : i1 to i32
    %cond3A = arith.constant 0 : i32
    %cond3A_27 = arith.cmpi ne, %convert_element_type3A, %cond3A : i32
    scf.if %cond3A_27 {
      %mul3A_62 = arith.constant 1000 : i32
      %mul3A_63 = arith.muli %arg1, %mul3A_62 : i32
      "tpu.region"() ({
        %run_scoped3A = tpu.sem_alloc : memref<!tpu.dma_semaphore, #tpu.memory_space<semaphore_mem>>
        %dma_start3A_64 = arith.constant 0 : i32
        %dma_start3A_65 = tpu.memref_slice %arg15[%mul3A_63, %dma_start3A_64] : memref<10000x128xf32, #tpu.memory_space<vmem_shared>> -> memref<1000x128xf32, #tpu.memory_space<vmem_shared>>
        tpu.enqueue_dma source(%arg4 : memref<1000x128xf32, #tpu.memory_space<hbm>>) target(%dma_start3A_65 : memref<1000x128xf32, #tpu.memory_space<vmem_shared>>) target_semaphore(%run_scoped3A : memref<!tpu.dma_semaphore, #tpu.memory_space<semaphore_mem>>)
        %dma_wait3A_66 = arith.constant 0 : i32
        %dma_wait3A_67 = tpu.memref_slice %arg15[%mul3A_63, %dma_wait3A_66] : memref<10000x128xf32, #tpu.memory_space<vmem_shared>> -> memref<1000x128xf32, #tpu.memory_space<vmem_shared>>
        tpu.wait_dma2 semaphore(%run_scoped3A : memref<!tpu.dma_semaphore, #tpu.memory_space<semaphore_mem>>) src(%arg4 : memref<1000x128xf32, #tpu.memory_space<hbm>>) dst(%dma_wait3A_67 : memref<1000x128xf32, #tpu.memory_space<vmem_shared>>)
        tpu.yield
      }) : () -> ()
    } else {
    }
    %dma_wait3A = tpu.memref_slice %arg3[%mul3A_2] : memref<640000xi32, #tpu.memory_space<hbm>> -> memref<80xi32, #tpu.memory_space<hbm>>
    %dma_wait3A_28 = tpu.memref_slice %arg3[%mul3A_2] : memref<640000xi32, #tpu.memory_space<hbm>> -> memref<80xi32, #tpu.memory_space<hbm>>
    tpu.wait_dma2 semaphore(%arg16 : memref<!tpu.dma_semaphore, #tpu.memory_space<semaphore_mem>>) src(%dma_wait3A_28 : memref<80xi32, #tpu.memory_space<hbm>>) dst(%arg6 : memref<80xi32, #tpu.memory_space<vmem>>)
    %dma_wait3A_29 = tpu.memref_slice %arg3[%mul3A_2] : memref<640000xi32, #tpu.memory_space<hbm>> -> memref<80xi32, #tpu.memory_space<hbm>>
    %dma_wait3A_30 = tpu.memref_slice %arg3[%mul3A_2] : memref<640000xi32, #tpu.memory_space<hbm>> -> memref<80xi32, #tpu.memory_space<hbm>>
    tpu.wait_dma2 semaphore(%arg16 : memref<!tpu.dma_semaphore, #tpu.memory_space<semaphore_mem>>) src(%dma_wait3A_30 : memref<80xi32, #tpu.memory_space<hbm>>) dst(%arg9 : memref<80xi32, #tpu.memory_space<vmem>>)
    %dma_start3A_31 = arith.constant 0 : i32
    %dma_start3A_32 = arith.constant 0 : i32
    %dma_start3A_33 = tpu.memref_slice %arg2[%dma_start3A_31, %dma_start3A_32] : memref<10000x128xf32, #tpu.memory_space<hbm>> -> memref<10000x128xf32, #tpu.memory_space<hbm>>
    tpu.enqueue_indirect_dma source(%dma_start3A_33 : memref<10000x128xf32, #tpu.memory_space<hbm>>) target(%arg12 : memref<80x128xf32, #tpu.memory_space<vmem>>) offsets(%arg6 : memref<80xi32, #tpu.memory_space<vmem>>) semaphore(%arg19 : memref<!tpu.dma_semaphore, #tpu.memory_space<semaphore_mem>>)
    %dma_wait3A_34 = tpu.memref_slice %arg3[%mul3A_2] : memref<640000xi32, #tpu.memory_space<hbm>> -> memref<80xi32, #tpu.memory_space<hbm>>
    %dma_wait3A_35 = tpu.memref_slice %arg3[%mul3A_2] : memref<640000xi32, #tpu.memory_space<hbm>> -> memref<80xi32, #tpu.memory_space<hbm>>
    tpu.wait_dma2 semaphore(%arg17 : memref<!tpu.dma_semaphore, #tpu.memory_space<semaphore_mem>>) src(%dma_wait3A_35 : memref<80xi32, #tpu.memory_space<hbm>>) dst(%arg7 : memref<80xi32, #tpu.memory_space<vmem>>)
    %dma_wait3A_36 = tpu.memref_slice %arg3[%mul3A_2] : memref<640000xi32, #tpu.memory_space<hbm>> -> memref<80xi32, #tpu.memory_space<hbm>>
    %dma_wait3A_37 = tpu.memref_slice %arg3[%mul3A_2] : memref<640000xi32, #tpu.memory_space<hbm>> -> memref<80xi32, #tpu.memory_space<hbm>>
    tpu.wait_dma2 semaphore(%arg17 : memref<!tpu.dma_semaphore, #tpu.memory_space<semaphore_mem>>) src(%dma_wait3A_37 : memref<80xi32, #tpu.memory_space<hbm>>) dst(%arg10 : memref<80xi32, #tpu.memory_space<vmem>>)
    %dma_start3A_38 = arith.constant 0 : i32
    %dma_start3A_39 = arith.constant 0 : i32
    %dma_start3A_40 = tpu.memref_slice %arg2[%dma_start3A_38, %dma_start3A_39] : memref<10000x128xf32, #tpu.memory_space<hbm>> -> memref<10000x128xf32, #tpu.memory_space<hbm>>
    tpu.enqueue_indirect_dma source(%dma_start3A_40 : memref<10000x128xf32, #tpu.memory_space<hbm>>) target(%arg13 : memref<80x128xf32, #tpu.memory_space<vmem>>) offsets(%arg7 : memref<80xi32, #tpu.memory_space<vmem>>) semaphore(%arg20 : memref<!tpu.dma_semaphore, #tpu.memory_space<semaphore_mem>>)
    %barrier3A = arith.constant 0 : index
    tpu.barrier barrier_id(%barrier3A)
    %scan3A = arith.constant 0 : i32
    %scan3A_41 = arith.constant 0 : i32
    %scan3A_42 = arith.constant 41 : i32
    %scan3A_43 = arith.addi %scan3A_41, %scan3A_42 : i32
    %scan3A_44 = arith.constant 1 : i32
    scf.for %scan3A_62 = %scan3A_41 to %scan3A_43 step %scan3A_44  : i32 {
      %mul3A_63 = arith.constant 3 : i32
      %mul3A_64 = arith.muli %mul3A_63, %scan3A_62 : i32
      %add3A_65 = arith.constant 0 : i32
      %add3A_66 = arith.addi %mul3A_64, %add3A_65 : i32
      %dma_wait3A_67 = arith.constant 0 : i32
      %dma_wait3A_68 = arith.constant 0 : i32
      %dma_wait3A_69 = tpu.memref_slice %arg2[%dma_wait3A_67, %dma_wait3A_68] : memref<10000x128xf32, #tpu.memory_space<hbm>> -> memref<10000x128xf32, #tpu.memory_space<hbm>>
      tpu.wait_indirect_dma semaphore(%arg19 : memref<!tpu.dma_semaphore, #tpu.memory_space<semaphore_mem>>) src(%dma_wait3A_69 : memref<10000x128xf32, #tpu.memory_space<hbm>>) dst(%arg12 : memref<80x128xf32, #tpu.memory_space<vmem>>)
      %dma_wait3A_70 = tpu.memref_slice %arg3[%mul3A_2] : memref<640000xi32, #tpu.memory_space<hbm>> -> memref<80xi32, #tpu.memory_space<hbm>>
      %dma_wait3A_71 = tpu.memref_slice %arg3[%mul3A_2] : memref<640000xi32, #tpu.memory_space<hbm>> -> memref<80xi32, #tpu.memory_space<hbm>>
      tpu.wait_dma2 semaphore(%arg18 : memref<!tpu.dma_semaphore, #tpu.memory_space<semaphore_mem>>) src(%dma_wait3A_71 : memref<80xi32, #tpu.memory_space<hbm>>) dst(%arg8 : memref<80xi32, #tpu.memory_space<vmem>>)
      %dma_wait3A_72 = tpu.memref_slice %arg3[%mul3A_2] : memref<640000xi32, #tpu.memory_space<hbm>> -> memref<80xi32, #tpu.memory_space<hbm>>
      %dma_wait3A_73 = tpu.memref_slice %arg3[%mul3A_2] : memref<640000xi32, #tpu.memory_space<hbm>> -> memref<80xi32, #tpu.memory_space<hbm>>
      tpu.wait_dma2 semaphore(%arg18 : memref<!tpu.dma_semaphore, #tpu.memory_space<semaphore_mem>>) src(%dma_wait3A_73 : memref<80xi32, #tpu.memory_space<hbm>>) dst(%arg11 : memref<80xi32, #tpu.memory_space<vmem>>)
      %dma_start3A_74 = arith.constant 0 : i32
      %dma_start3A_75 = arith.constant 0 : i32
      %dma_start3A_76 = tpu.memref_slice %arg2[%dma_start3A_74, %dma_start3A_75] : memref<10000x128xf32, #tpu.memory_space<hbm>> -> memref<10000x128xf32, #tpu.memory_space<hbm>>
      tpu.enqueue_indirect_dma source(%dma_start3A_76 : memref<10000x128xf32, #tpu.memory_space<hbm>>) target(%arg14 : memref<80x128xf32, #tpu.memory_space<vmem>>) offsets(%arg8 : memref<80xi32, #tpu.memory_space<vmem>>) semaphore(%arg21 : memref<!tpu.dma_semaphore, #tpu.memory_space<semaphore_mem>>)
      "tpu.region"() ({
        %run_scoped3A = tpu.sem_alloc : memref<!tpu.dma_semaphore, #tpu.memory_space<semaphore_mem>>
        %dma_start3A_143 = arith.constant 0 : i32
        %dma_start3A_144 = arith.constant 0 : i32
        %dma_start3A_145 = tpu.memref_slice %arg15[%dma_start3A_143, %dma_start3A_144] : memref<10000x128xf32, #tpu.memory_space<vmem_shared>> -> memref<10000x128xf32, #tpu.memory_space<vmem_shared>>
        tpu.enqueue_indirect_dma source(%arg12 : memref<80x128xf32, #tpu.memory_space<vmem>>) target(%dma_start3A_145 : memref<10000x128xf32, #tpu.memory_space<vmem_shared>>) offsets(%arg9 : memref<80xi32, #tpu.memory_space<vmem>>) semaphore(%run_scoped3A : memref<!tpu.dma_semaphore, #tpu.memory_space<semaphore_mem>>) {add = true}
        %dma_wait3A_146 = arith.constant 0 : i32
        %dma_wait3A_147 = arith.constant 0 : i32
        %dma_wait3A_148 = tpu.memref_slice %arg15[%dma_wait3A_146, %dma_wait3A_147] : memref<10000x128xf32, #tpu.memory_space<vmem_shared>> -> memref<10000x128xf32, #tpu.memory_space<vmem_shared>>
        tpu.wait_indirect_dma semaphore(%run_scoped3A : memref<!tpu.dma_semaphore, #tpu.memory_space<semaphore_mem>>) src(%arg12 : memref<80x128xf32, #tpu.memory_space<vmem>>) dst(%dma_wait3A_148 : memref<10000x128xf32, #tpu.memory_space<vmem_shared>>)
        tpu.yield
      }) : () -> ()
      %add3A_77 = arith.constant 3 : i32
      %add3A_78 = arith.addi %add3A_66, %add3A_77 : i32
      %min3A = arith.constant 124 : i32
      %min3A_79 = arith.minsi %add3A_78, %min3A : i32
      %mul3A_80 = arith.constant 80 : i32
      %mul3A_81 = arith.muli %min3A_79, %mul3A_80 : i32
      %add3A_82 = arith.addi %mul3A_2, %mul3A_81 : i32
      %dma_start3A_83 = tpu.memref_slice %arg3[%add3A_82] : memref<640000xi32, #tpu.memory_space<hbm>> -> memref<80xi32, #tpu.memory_space<hbm>>
      %dma_start3A_84 = tpu.memref_slice %arg3[%add3A_82] : memref<640000xi32, #tpu.memory_space<hbm>> -> memref<80xi32, #tpu.memory_space<hbm>>
      tpu.enqueue_dma source(%dma_start3A_84 : memref<80xi32, #tpu.memory_space<hbm>>) target(%arg6 : memref<80xi32, #tpu.memory_space<vmem>>) target_semaphore(%arg16 : memref<!tpu.dma_semaphore, #tpu.memory_space<semaphore_mem>>)
      %add3A_85 = arith.constant 320000 : i32
      %add3A_86 = arith.addi %add3A_85, %add3A_82 : i32
      %dma_start3A_87 = tpu.memref_slice %arg3[%add3A_86] : memref<640000xi32, #tpu.memory_space<hbm>> -> memref<80xi32, #tpu.memory_space<hbm>>
      %dma_start3A_88 = tpu.memref_slice %arg3[%add3A_86] : memref<640000xi32, #tpu.memory_space<hbm>> -> memref<80xi32, #tpu.memory_space<hbm>>
      tpu.enqueue_dma source(%dma_start3A_88 : memref<80xi32, #tpu.memory_space<hbm>>) target(%arg9 : memref<80xi32, #tpu.memory_space<vmem>>) target_semaphore(%arg16 : memref<!tpu.dma_semaphore, #tpu.memory_space<semaphore_mem>>)
      %mul3A_89 = arith.constant 3 : i32
      %mul3A_90 = arith.muli %mul3A_89, %scan3A_62 : i32
      %add3A_91 = arith.constant 1 : i32
      %add3A_92 = arith.addi %mul3A_90, %add3A_91 : i32
      %dma_wait3A_93 = arith.constant 0 : i32
      %dma_wait3A_94 = arith.constant 0 : i32
      %dma_wait3A_95 = tpu.memref_slice %arg2[%dma_wait3A_93, %dma_wait3A_94] : memref<10000x128xf32, #tpu.memory_space<hbm>> -> memref<10000x128xf32, #tpu.memory_space<hbm>>
      tpu.wait_indirect_dma semaphore(%arg20 : memref<!tpu.dma_semaphore, #tpu.memory_space<semaphore_mem>>) src(%dma_wait3A_95 : memref<10000x128xf32, #tpu.memory_space<hbm>>) dst(%arg13 : memref<80x128xf32, #tpu.memory_space<vmem>>)
      %dma_wait3A_96 = tpu.memref_slice %arg3[%mul3A_2] : memref<640000xi32, #tpu.memory_space<hbm>> -> memref<80xi32, #tpu.memory_space<hbm>>
      %dma_wait3A_97 = tpu.memref_slice %arg3[%mul3A_2] : memref<640000xi32, #tpu.memory_space<hbm>> -> memref<80xi32, #tpu.memory_space<hbm>>
      tpu.wait_dma2 semaphore(%arg16 : memref<!tpu.dma_semaphore, #tpu.memory_space<semaphore_mem>>) src(%dma_wait3A_97 : memref<80xi32, #tpu.memory_space<hbm>>) dst(%arg6 : memref<80xi32, #tpu.memory_space<vmem>>)
      %dma_wait3A_98 = tpu.memref_slice %arg3[%mul3A_2] : memref<640000xi32, #tpu.memory_space<hbm>> -> memref<80xi32, #tpu.memory_space<hbm>>
      %dma_wait3A_99 = tpu.memref_slice %arg3[%mul3A_2] : memref<640000xi32, #tpu.memory_space<hbm>> -> memref<80xi32, #tpu.memory_space<hbm>>
      tpu.wait_dma2 semaphore(%arg16 : memref<!tpu.dma_semaphore, #tpu.memory_space<semaphore_mem>>) src(%dma_wait3A_99 : memref<80xi32, #tpu.memory_space<hbm>>) dst(%arg9 : memref<80xi32, #tpu.memory_space<vmem>>)
      %dma_start3A_100 = arith.constant 0 : i32
      %dma_start3A_101 = arith.constant 0 : i32
      %dma_start3A_102 = tpu.memref_slice %arg2[%dma_start3A_100, %dma_start3A_101] : memref<10000x128xf32, #tpu.memory_space<hbm>> -> memref<10000x128xf32, #tpu.memory_space<hbm>>
      tpu.enqueue_indirect_dma source(%dma_start3A_102 : memref<10000x128xf32, #tpu.memory_space<hbm>>) target(%arg12 : memref<80x128xf32, #tpu.memory_space<vmem>>) offsets(%arg6 : memref<80xi32, #tpu.memory_space<vmem>>) semaphore(%arg19 : memref<!tpu.dma_semaphore, #tpu.memory_space<semaphore_mem>>)
      "tpu.region"() ({
        %run_scoped3A = tpu.sem_alloc : memref<!tpu.dma_semaphore, #tpu.memory_space<semaphore_mem>>
        %dma_start3A_143 = arith.constant 0 : i32
        %dma_start3A_144 = arith.constant 0 : i32
        %dma_start3A_145 = tpu.memref_slice %arg15[%dma_start3A_143, %dma_start3A_144] : memref<10000x128xf32, #tpu.memory_space<vmem_shared>> -> memref<10000x128xf32, #tpu.memory_space<vmem_shared>>
        tpu.enqueue_indirect_dma source(%arg13 : memref<80x128xf32, #tpu.memory_space<vmem>>) target(%dma_start3A_145 : memref<10000x128xf32, #tpu.memory_space<vmem_shared>>) offsets(%arg10 : memref<80xi32, #tpu.memory_space<vmem>>) semaphore(%run_scoped3A : memref<!tpu.dma_semaphore, #tpu.memory_space<semaphore_mem>>) {add = true}
        %dma_wait3A_146 = arith.constant 0 : i32
        %dma_wait3A_147 = arith.constant 0 : i32
        %dma_wait3A_148 = tpu.memref_slice %arg15[%dma_wait3A_146, %dma_wait3A_147] : memref<10000x128xf32, #tpu.memory_space<vmem_shared>> -> memref<10000x128xf32, #tpu.memory_space<vmem_shared>>
        tpu.wait_indirect_dma semaphore(%run_scoped3A : memref<!tpu.dma_semaphore, #tpu.memory_space<semaphore_mem>>) src(%arg13 : memref<80x128xf32, #tpu.memory_space<vmem>>) dst(%dma_wait3A_148 : memref<10000x128xf32, #tpu.memory_space<vmem_shared>>)
        tpu.yield
      }) : () -> ()
      %add3A_103 = arith.constant 3 : i32
      %add3A_104 = arith.addi %add3A_92, %add3A_103 : i32
      %min3A_105 = arith.constant 124 : i32
      %min3A_106 = arith.minsi %add3A_104, %min3A_105 : i32
      %mul3A_107 = arith.constant 80 : i32
      %mul3A_108 = arith.muli %min3A_106, %mul3A_107 : i32
      %add3A_109 = arith.addi %mul3A_2, %mul3A_108 : i32
      %dma_start3A_110 = tpu.memref_slice %arg3[%add3A_109] : memref<640000xi32, #tpu.memory_space<hbm>> -> memref<80xi32, #tpu.memory_space<hbm>>
      %dma_start3A_111 = tpu.memref_slice %arg3[%add3A_109] : memref<640000xi32, #tpu.memory_space<hbm>> -> memref<80xi32, #tpu.memory_space<hbm>>
      tpu.enqueue_dma source(%dma_start3A_111 : memref<80xi32, #tpu.memory_space<hbm>>) target(%arg7 : memref<80xi32, #tpu.memory_space<vmem>>) target_semaphore(%arg17 : memref<!tpu.dma_semaphore, #tpu.memory_space<semaphore_mem>>)
      %add3A_112 = arith.constant 320000 : i32
      %add3A_113 = arith.addi %add3A_112, %add3A_109 : i32
      %dma_start3A_114 = tpu.memref_slice %arg3[%add3A_113] : memref<640000xi32, #tpu.memory_space<hbm>> -> memref<80xi32, #tpu.memory_space<hbm>>
      %dma_start3A_115 = tpu.memref_slice %arg3[%add3A_113] : memref<640000xi32, #tpu.memory_space<hbm>> -> memref<80xi32, #tpu.memory_space<hbm>>
      tpu.enqueue_dma source(%dma_start3A_115 : memref<80xi32, #tpu.memory_space<hbm>>) target(%arg10 : memref<80xi32, #tpu.memory_space<vmem>>) target_semaphore(%arg17 : memref<!tpu.dma_semaphore, #tpu.memory_space<semaphore_mem>>)
      %mul3A_116 = arith.constant 3 : i32
      %mul3A_117 = arith.muli %mul3A_116, %scan3A_62 : i32
      %add3A_118 = arith.constant 2 : i32
      %add3A_119 = arith.addi %mul3A_117, %add3A_118 : i32
      %dma_wait3A_120 = arith.constant 0 : i32
      %dma_wait3A_121 = arith.constant 0 : i32
      %dma_wait3A_122 = tpu.memref_slice %arg2[%dma_wait3A_120, %dma_wait3A_121] : memref<10000x128xf32, #tpu.memory_space<hbm>> -> memref<10000x128xf32, #tpu.memory_space<hbm>>
      tpu.wait_indirect_dma semaphore(%arg21 : memref<!tpu.dma_semaphore, #tpu.memory_space<semaphore_mem>>) src(%dma_wait3A_122 : memref<10000x128xf32, #tpu.memory_space<hbm>>) dst(%arg14 : memref<80x128xf32, #tpu.memory_space<vmem>>)
      %dma_wait3A_123 = tpu.memref_slice %arg3[%mul3A_2] : memref<640000xi32, #tpu.memory_space<hbm>> -> memref<80xi32, #tpu.memory_space<hbm>>
      %dma_wait3A_124 = tpu.memref_slice %arg3[%mul3A_2] : memref<640000xi32, #tpu.memory_space<hbm>> -> memref<80xi32, #tpu.memory_space<hbm>>
      tpu.wait_dma2 semaphore(%arg17 : memref<!tpu.dma_semaphore, #tpu.memory_space<semaphore_mem>>) src(%dma_wait3A_124 : memref<80xi32, #tpu.memory_space<hbm>>) dst(%arg7 : memref<80xi32, #tpu.memory_space<vmem>>)
      %dma_wait3A_125 = tpu.memref_slice %arg3[%mul3A_2] : memref<640000xi32, #tpu.memory_space<hbm>> -> memref<80xi32, #tpu.memory_space<hbm>>
      %dma_wait3A_126 = tpu.memref_slice %arg3[%mul3A_2] : memref<640000xi32, #tpu.memory_space<hbm>> -> memref<80xi32, #tpu.memory_space<hbm>>
      tpu.wait_dma2 semaphore(%arg17 : memref<!tpu.dma_semaphore, #tpu.memory_space<semaphore_mem>>) src(%dma_wait3A_126 : memref<80xi32, #tpu.memory_space<hbm>>) dst(%arg10 : memref<80xi32, #tpu.memory_space<vmem>>)
      %dma_start3A_127 = arith.constant 0 : i32
      %dma_start3A_128 = arith.constant 0 : i32
      %dma_start3A_129 = tpu.memref_slice %arg2[%dma_start3A_127, %dma_start3A_128] : memref<10000x128xf32, #tpu.memory_space<hbm>> -> memref<10000x128xf32, #tpu.memory_space<hbm>>
      tpu.enqueue_indirect_dma source(%dma_start3A_129 : memref<10000x128xf32, #tpu.memory_space<hbm>>) target(%arg13 : memref<80x128xf32, #tpu.memory_space<vmem>>) offsets(%arg7 : memref<80xi32, #tpu.memory_space<vmem>>) semaphore(%arg20 : memref<!tpu.dma_semaphore, #tpu.memory_space<semaphore_mem>>)
      "tpu.region"() ({
        %run_scoped3A = tpu.sem_alloc : memref<!tpu.dma_semaphore, #tpu.memory_space<semaphore_mem>>
        %dma_start3A_143 = arith.constant 0 : i32
        %dma_start3A_144 = arith.constant 0 : i32
        %dma_start3A_145 = tpu.memref_slice %arg15[%dma_start3A_143, %dma_start3A_144] : memref<10000x128xf32, #tpu.memory_space<vmem_shared>> -> memref<10000x128xf32, #tpu.memory_space<vmem_shared>>
        tpu.enqueue_indirect_dma source(%arg14 : memref<80x128xf32, #tpu.memory_space<vmem>>) target(%dma_start3A_145 : memref<10000x128xf32, #tpu.memory_space<vmem_shared>>) offsets(%arg11 : memref<80xi32, #tpu.memory_space<vmem>>) semaphore(%run_scoped3A : memref<!tpu.dma_semaphore, #tpu.memory_space<semaphore_mem>>) {add = true}
        %dma_wait3A_146 = arith.constant 0 : i32
        %dma_wait3A_147 = arith.constant 0 : i32
        %dma_wait3A_148 = tpu.memref_slice %arg15[%dma_wait3A_146, %dma_wait3A_147] : memref<10000x128xf32, #tpu.memory_space<vmem_shared>> -> memref<10000x128xf32, #tpu.memory_space<vmem_shared>>
        tpu.wait_indirect_dma semaphore(%run_scoped3A : memref<!tpu.dma_semaphore, #tpu.memory_space<semaphore_mem>>) src(%arg14 : memref<80x128xf32, #tpu.memory_space<vmem>>) dst(%dma_wait3A_148 : memref<10000x128xf32, #tpu.memory_space<vmem_shared>>)
        tpu.yield
      }) : () -> ()
      %add3A_130 = arith.constant 3 : i32
      %add3A_131 = arith.addi %add3A_119, %add3A_130 : i32
      %min3A_132 = arith.constant 124 : i32
      %min3A_133 = arith.minsi %add3A_131, %min3A_132 : i32
      %mul3A_134 = arith.constant 80 : i32
      %mul3A_135 = arith.muli %min3A_133, %mul3A_134 : i32
      %add3A_136 = arith.addi %mul3A_2, %mul3A_135 : i32
      %dma_start3A_137 = tpu.memref_slice %arg3[%add3A_136] : memref<640000xi32, #tpu.memory_space<hbm>> -> memref<80xi32, #tpu.memory_space<hbm>>
      %dma_start3A_138 = tpu.memref_slice %arg3[%add3A_136] : memref<640000xi32, #tpu.memory_space<hbm>> -> memref<80xi32, #tpu.memory_space<hbm>>
      tpu.enqueue_dma source(%dma_start3A_138 : memref<80xi32, #tpu.memory_space<hbm>>) target(%arg8 : memref<80xi32, #tpu.memory_space<vmem>>) target_semaphore(%arg18 : memref<!tpu.dma_semaphore, #tpu.memory_space<semaphore_mem>>)
      %add3A_139 = arith.constant 320000 : i32
      %add3A_140 = arith.addi %add3A_139, %add3A_136 : i32
      %dma_start3A_141 = tpu.memref_slice %arg3[%add3A_140] : memref<640000xi32, #tpu.memory_space<hbm>> -> memref<80xi32, #tpu.memory_space<hbm>>
      %dma_start3A_142 = tpu.memref_slice %arg3[%add3A_140] : memref<640000xi32, #tpu.memory_space<hbm>> -> memref<80xi32, #tpu.memory_space<hbm>>
      tpu.enqueue_dma source(%dma_start3A_142 : memref<80xi32, #tpu.memory_space<hbm>>) target(%arg11 : memref<80xi32, #tpu.memory_space<vmem>>) target_semaphore(%arg18 : memref<!tpu.dma_semaphore, #tpu.memory_space<semaphore_mem>>)
    }
    %scan3A_45 = arith.constant 41 : i32
    %dma_wait3A_46 = arith.constant 0 : i32
    %dma_wait3A_47 = arith.constant 0 : i32
    %dma_wait3A_48 = tpu.memref_slice %arg2[%dma_wait3A_46, %dma_wait3A_47] : memref<10000x128xf32, #tpu.memory_space<hbm>> -> memref<10000x128xf32, #tpu.memory_space<hbm>>
    tpu.wait_indirect_dma semaphore(%arg19 : memref<!tpu.dma_semaphore, #tpu.memory_space<semaphore_mem>>) src(%dma_wait3A_48 : memref<10000x128xf32, #tpu.memory_space<hbm>>) dst(%arg12 : memref<80x128xf32, #tpu.memory_space<vmem>>)
    "tpu.region"() ({
      %run_scoped3A = tpu.sem_alloc : memref<!tpu.dma_semaphore, #tpu.memory_space<semaphore_mem>>
      %dma_start3A_62 = arith.constant 0 : i32
      %dma_start3A_63 = arith.constant 0 : i32
      %dma_start3A_64 = tpu.memref_slice %arg15[%dma_start3A_62, %dma_start3A_63] : memref<10000x128xf32, #tpu.memory_space<vmem_shared>> -> memref<10000x128xf32, #tpu.memory_space<vmem_shared>>
      tpu.enqueue_indirect_dma source(%arg12 : memref<80x128xf32, #tpu.memory_space<vmem>>) target(%dma_start3A_64 : memref<10000x128xf32, #tpu.memory_space<vmem_shared>>) offsets(%arg9 : memref<80xi32, #tpu.memory_space<vmem>>) semaphore(%run_scoped3A : memref<!tpu.dma_semaphore, #tpu.memory_space<semaphore_mem>>) {add = true}
      %dma_wait3A_65 = arith.constant 0 : i32
      %dma_wait3A_66 = arith.constant 0 : i32
      %dma_wait3A_67 = tpu.memref_slice %arg15[%dma_wait3A_65, %dma_wait3A_66] : memref<10000x128xf32, #tpu.memory_space<vmem_shared>> -> memref<10000x128xf32, #tpu.memory_space<vmem_shared>>
      tpu.wait_indirect_dma semaphore(%run_scoped3A : memref<!tpu.dma_semaphore, #tpu.memory_space<semaphore_mem>>) src(%arg12 : memref<80x128xf32, #tpu.memory_space<vmem>>) dst(%dma_wait3A_67 : memref<10000x128xf32, #tpu.memory_space<vmem_shared>>)
      tpu.yield
    }) : () -> ()
    %dma_wait3A_49 = arith.constant 0 : i32
    %dma_wait3A_50 = arith.constant 0 : i32
    %dma_wait3A_51 = tpu.memref_slice %arg2[%dma_wait3A_49, %dma_wait3A_50] : memref<10000x128xf32, #tpu.memory_space<hbm>> -> memref<10000x128xf32, #tpu.memory_space<hbm>>
    tpu.wait_indirect_dma semaphore(%arg20 : memref<!tpu.dma_semaphore, #tpu.memory_space<semaphore_mem>>) src(%dma_wait3A_51 : memref<10000x128xf32, #tpu.memory_space<hbm>>) dst(%arg13 : memref<80x128xf32, #tpu.memory_space<vmem>>)
    "tpu.region"() ({
      %run_scoped3A = tpu.sem_alloc : memref<!tpu.dma_semaphore, #tpu.memory_space<semaphore_mem>>
      %dma_start3A_62 = arith.constant 0 : i32
      %dma_start3A_63 = arith.constant 0 : i32
      %dma_start3A_64 = tpu.memref_slice %arg15[%dma_start3A_62, %dma_start3A_63] : memref<10000x128xf32, #tpu.memory_space<vmem_shared>> -> memref<10000x128xf32, #tpu.memory_space<vmem_shared>>
      tpu.enqueue_indirect_dma source(%arg13 : memref<80x128xf32, #tpu.memory_space<vmem>>) target(%dma_start3A_64 : memref<10000x128xf32, #tpu.memory_space<vmem_shared>>) offsets(%arg10 : memref<80xi32, #tpu.memory_space<vmem>>) semaphore(%run_scoped3A : memref<!tpu.dma_semaphore, #tpu.memory_space<semaphore_mem>>) {add = true}
      %dma_wait3A_65 = arith.constant 0 : i32
      %dma_wait3A_66 = arith.constant 0 : i32
      %dma_wait3A_67 = tpu.memref_slice %arg15[%dma_wait3A_65, %dma_wait3A_66] : memref<10000x128xf32, #tpu.memory_space<vmem_shared>> -> memref<10000x128xf32, #tpu.memory_space<vmem_shared>>
      tpu.wait_indirect_dma semaphore(%run_scoped3A : memref<!tpu.dma_semaphore, #tpu.memory_space<semaphore_mem>>) src(%arg13 : memref<80x128xf32, #tpu.memory_space<vmem>>) dst(%dma_wait3A_67 : memref<10000x128xf32, #tpu.memory_space<vmem_shared>>)
      tpu.yield
    }) : () -> ()
    %dma_wait3A_52 = tpu.memref_slice %arg3[%mul3A_2] : memref<640000xi32, #tpu.memory_space<hbm>> -> memref<80xi32, #tpu.memory_space<hbm>>
    %dma_wait3A_53 = tpu.memref_slice %arg3[%mul3A_2] : memref<640000xi32, #tpu.memory_space<hbm>> -> memref<80xi32, #tpu.memory_space<hbm>>
    tpu.wait_dma2 semaphore(%arg18 : memref<!tpu.dma_semaphore, #tpu.memory_space<semaphore_mem>>) src(%dma_wait3A_53 : memref<80xi32, #tpu.memory_space<hbm>>) dst(%arg8 : memref<80xi32, #tpu.memory_space<vmem>>)
    %dma_wait3A_54 = tpu.memref_slice %arg3[%mul3A_2] : memref<640000xi32, #tpu.memory_space<hbm>> -> memref<80xi32, #tpu.memory_space<hbm>>
    %dma_wait3A_55 = tpu.memref_slice %arg3[%mul3A_2] : memref<640000xi32, #tpu.memory_space<hbm>> -> memref<80xi32, #tpu.memory_space<hbm>>
    tpu.wait_dma2 semaphore(%arg18 : memref<!tpu.dma_semaphore, #tpu.memory_space<semaphore_mem>>) src(%dma_wait3A_55 : memref<80xi32, #tpu.memory_space<hbm>>) dst(%arg11 : memref<80xi32, #tpu.memory_space<vmem>>)
    %barrier3A_56 = arith.constant 0 : index
    tpu.barrier barrier_id(%barrier3A_56)
    %lt3A_57 = arith.constant 10 : i32
    %lt3A_58 = arith.cmpi slt, %arg1, %lt3A_57 : i32
    %convert_element_type3A_59 = arith.extui %lt3A_58 : i1 to i32
    %cond3A_60 = arith.constant 0 : i32
    %cond3A_61 = arith.cmpi ne, %convert_element_type3A_59, %cond3A_60 : i32
    scf.if %cond3A_61 {
      %mul3A_62 = arith.constant 1000 : i32
      %mul3A_63 = arith.muli %arg1, %mul3A_62 : i32
      %mul3A_64 = arith.constant 1000 : i32
      %mul3A_65 = arith.muli %arg1, %mul3A_64 : i32
      "tpu.region"() ({
        %run_scoped3A = tpu.sem_alloc : memref<!tpu.dma_semaphore, #tpu.memory_space<semaphore_mem>>
        %dma_start3A_66 = arith.constant 0 : i32
        %dma_start3A_67 = arith.constant 0 : i32
        %dma_start3A_68 = tpu.memref_slice %arg5[%arg0, %dma_start3A_66, %dma_start3A_67] : memref<2x10000x128xf32, #tpu.memory_space<hbm>> -> memref<1x10000x128xf32, #tpu.memory_space<hbm>>
        %dma_start3A_69 = tpu.memref_squeeze %dma_start3A_68 : memref<1x10000x128xf32, #tpu.memory_space<hbm>> -> memref<10000x128xf32, #tpu.memory_space<hbm>>
        %dma_start3A_70 = arith.constant 0 : i32
        %dma_start3A_71 = tpu.memref_slice %dma_start3A_69[%mul3A_65, %dma_start3A_70] : memref<10000x128xf32, #tpu.memory_space<hbm>> -> memref<1000x128xf32, #tpu.memory_space<hbm>>
        %dma_start3A_72 = arith.constant 0 : i32
        %dma_start3A_73 = tpu.memref_slice %arg15[%mul3A_63, %dma_start3A_72] : memref<10000x128xf32, #tpu.memory_space<vmem_shared>> -> memref<1000x128xf32, #tpu.memory_space<vmem_shared>>
        tpu.enqueue_dma source(%dma_start3A_73 : memref<1000x128xf32, #tpu.memory_space<vmem_shared>>) target(%dma_start3A_71 : memref<1000x128xf32, #tpu.memory_space<hbm>>) target_semaphore(%run_scoped3A : memref<!tpu.dma_semaphore, #tpu.memory_space<semaphore_mem>>)
        %dma_wait3A_74 = arith.constant 0 : i32
        %dma_wait3A_75 = arith.constant 0 : i32
        %dma_wait3A_76 = tpu.memref_slice %arg5[%arg0, %dma_wait3A_74, %dma_wait3A_75] : memref<2x10000x128xf32, #tpu.memory_space<hbm>> -> memref<1x10000x128xf32, #tpu.memory_space<hbm>>
        %dma_wait3A_77 = tpu.memref_squeeze %dma_wait3A_76 : memref<1x10000x128xf32, #tpu.memory_space<hbm>> -> memref<10000x128xf32, #tpu.memory_space<hbm>>
        %dma_wait3A_78 = arith.constant 0 : i32
        %dma_wait3A_79 = tpu.memref_slice %dma_wait3A_77[%mul3A_65, %dma_wait3A_78] : memref<10000x128xf32, #tpu.memory_space<hbm>> -> memref<1000x128xf32, #tpu.memory_space<hbm>>
        %dma_wait3A_80 = arith.constant 0 : i32
        %dma_wait3A_81 = tpu.memref_slice %arg15[%mul3A_63, %dma_wait3A_80] : memref<10000x128xf32, #tpu.memory_space<vmem_shared>> -> memref<1000x128xf32, #tpu.memory_space<vmem_shared>>
        tpu.wait_dma2 semaphore(%run_scoped3A : memref<!tpu.dma_semaphore, #tpu.memory_space<semaphore_mem>>) src(%dma_wait3A_81 : memref<1000x128xf32, #tpu.memory_space<vmem_shared>>) dst(%dma_wait3A_79 : memref<1000x128xf32, #tpu.memory_space<hbm>>)
        tpu.yield
      }) : () -> ()
    } else {
    }
    return
  }
}

module attributes {stable_mosaic.version = 14 : i64} {
  func.func @_mlp_bn_pool_body(%arg0: memref<10000x128xf32, #tpu.memory_space<vmem>>, %arg1: memref<2x10000x128xf32, #tpu.memory_space<vmem>>, %arg2: memref<128x128xf32, #tpu.memory_space<vmem>>, %arg3: memref<1x128xf32, #tpu.memory_space<vmem>>, %arg4: memref<128x128xf32, #tpu.memory_space<vmem>>, %arg5: memref<1x128xf32, #tpu.memory_space<vmem>>, %arg6: memref<1x128xf32, #tpu.memory_space<vmem>>, %arg7: memref<1x128xf32, #tpu.memory_space<vmem>>, %arg8: memref<1x10000xi32, #tpu.memory_space<vmem>>, %arg9: memref<10000x256xf32, #tpu.memory_space<vmem>>, %arg10: memref<64x256xf32, #tpu.memory_space<vmem>>) attributes {dimension_semantics = [], scalar_prefetch = 0 : i64, scratch_operands = 0 : i64, tpu.core_type = #tpu.core_type<tc>} {
    %get3A = arith.constant 0 : index
    %get3A_0 = arith.constant 0 : index
    %get3A_1 = vector.load %arg0[%get3A, %get3A_0] : memref<10000x128xf32, #tpu.memory_space<vmem>>, vector<10000x128xf32>
    %get3A_2 = arith.constant 0 : index
    %get3A_3 = arith.constant 0 : index
    %get3A_4 = arith.constant 0 : index
    %get3A_5 = vector.load %arg1[%get3A_2, %get3A_3, %get3A_4] : memref<2x10000x128xf32, #tpu.memory_space<vmem>>, vector<1x10000x128xf32>
    %get3A_6 = vector.shape_cast %get3A_5 : vector<1x10000x128xf32> to vector<10000x128xf32>
    %add3A = arith.addf %get3A_1, %get3A_6 : vector<10000x128xf32>
    %get3A_7 = arith.constant 1 : index
    %get3A_8 = arith.constant 0 : index
    %get3A_9 = arith.constant 0 : index
    %get3A_10 = vector.load %arg1[%get3A_7, %get3A_8, %get3A_9] : memref<2x10000x128xf32, #tpu.memory_space<vmem>>, vector<1x10000x128xf32>
    %get3A_11 = vector.shape_cast %get3A_10 : vector<1x10000x128xf32> to vector<10000x128xf32>
    %add3A_12 = arith.addf %add3A, %get3A_11 : vector<10000x128xf32>
    %get3A_13 = arith.constant 0 : index
    %get3A_14 = arith.constant 0 : index
    %get3A_15 = vector.load %arg2[%get3A_13, %get3A_14] : memref<128x128xf32, #tpu.memory_space<vmem>>, vector<128x128xf32>
    %dot_general3A = arith.constant dense<0.000000e+00> : vector<10000x128xf32>
    %dot_general3A_16 = tpu.matmul %add3A_12, %get3A_15, %dot_general3A {dimension_numbers = #tpu.dot_dimension_numbers<[1], [0], [0], [1], [0, 0, 1, 1], [], []>, transpose_lhs_hint = false} : vector<10000x128xf32>, vector<128x128xf32>, vector<10000x128xf32> -> vector<10000x128xf32>
    %get3A_17 = arith.constant 0 : index
    %get3A_18 = arith.constant 0 : index
    %get3A_19 = vector.load %arg3[%get3A_17, %get3A_18] : memref<1x128xf32, #tpu.memory_space<vmem>>, vector<1x128xf32>
    %add3A_20 = vector.broadcast %get3A_19 : vector<1x128xf32> to vector<10000x128xf32>
    %add3A_21 = arith.addf %dot_general3A_16, %add3A_20 : vector<10000x128xf32>
    %max3A = arith.constant 0.000000e+00 : f32
    %max3A_22 = vector.broadcast %max3A : f32 to vector<10000x128xf32>
    %max3A_23 = arith.maximumf %add3A_21, %max3A_22 : vector<10000x128xf32>
    %get3A_24 = arith.constant 0 : index
    %get3A_25 = arith.constant 0 : index
    %get3A_26 = vector.load %arg4[%get3A_24, %get3A_25] : memref<128x128xf32, #tpu.memory_space<vmem>>, vector<128x128xf32>
    %dot_general3A_27 = arith.constant dense<0.000000e+00> : vector<10000x128xf32>
    %dot_general3A_28 = tpu.matmul %max3A_23, %get3A_26, %dot_general3A_27 {dimension_numbers = #tpu.dot_dimension_numbers<[1], [0], [0], [1], [0, 0, 1, 1], [], []>, transpose_lhs_hint = false} : vector<10000x128xf32>, vector<128x128xf32>, vector<10000x128xf32> -> vector<10000x128xf32>
    %get3A_29 = arith.constant 0 : index
    %get3A_30 = arith.constant 0 : index
    %get3A_31 = vector.load %arg5[%get3A_29, %get3A_30] : memref<1x128xf32, #tpu.memory_space<vmem>>, vector<1x128xf32>
    %add3A_32 = vector.broadcast %get3A_31 : vector<1x128xf32> to vector<10000x128xf32>
    %add3A_33 = arith.addf %dot_general3A_28, %add3A_32 : vector<10000x128xf32>
    %max3A_34 = arith.constant 0.000000e+00 : f32
    %max3A_35 = vector.broadcast %max3A_34 : f32 to vector<10000x128xf32>
    %max3A_36 = arith.maximumf %add3A_33, %max3A_35 : vector<10000x128xf32>
    %reduce_sum3A = arith.constant dense<0.000000e+00> : vector<128xf32>
    %reduce_sum3A_37 = vector.multi_reduction <add>, %max3A_36, %reduce_sum3A [0] : vector<10000x128xf32> to vector<128xf32>
    %broadcast_in_dim3A = vector.shape_cast %reduce_sum3A_37 : vector<128xf32> to vector<1x128xf32>
    %div3A = arith.constant 1.000000e+04 : f32
    %div3A_38 = vector.broadcast %div3A : f32 to vector<1x128xf32>
    %div3A_39 = arith.divf %broadcast_in_dim3A, %div3A_38 : vector<1x128xf32>
    %mul3A = arith.mulf %max3A_36, %max3A_36 : vector<10000x128xf32>
    %reduce_sum3A_40 = arith.constant dense<0.000000e+00> : vector<128xf32>
    %reduce_sum3A_41 = vector.multi_reduction <add>, %mul3A, %reduce_sum3A_40 [0] : vector<10000x128xf32> to vector<128xf32>
    %broadcast_in_dim3A_42 = vector.shape_cast %reduce_sum3A_41 : vector<128xf32> to vector<1x128xf32>
    %div3A_43 = arith.constant 1.000000e+04 : f32
    %div3A_44 = vector.broadcast %div3A_43 : f32 to vector<1x128xf32>
    %div3A_45 = arith.divf %broadcast_in_dim3A_42, %div3A_44 : vector<1x128xf32>
    %mul3A_46 = arith.mulf %div3A_39, %div3A_39 : vector<1x128xf32>
    %sub3A = arith.subf %div3A_45, %mul3A_46 : vector<1x128xf32>
    %sub3A_47 = vector.broadcast %div3A_39 : vector<1x128xf32> to vector<10000x128xf32>
    %sub3A_48 = arith.subf %max3A_36, %sub3A_47 : vector<10000x128xf32>
    %add3A_49 = arith.constant 9.99999974E-6 : f32
    %add3A_50 = vector.broadcast %add3A_49 : f32 to vector<1x128xf32>
    %add3A_51 = arith.addf %sub3A, %add3A_50 : vector<1x128xf32>
    %rsqrt3A = math.rsqrt %add3A_51 : vector<1x128xf32>
    %mul3A_52 = vector.broadcast %rsqrt3A : vector<1x128xf32> to vector<10000x128xf32>
    %mul3A_53 = arith.mulf %sub3A_48, %mul3A_52 : vector<10000x128xf32>
    %get3A_54 = arith.constant 0 : index
    %get3A_55 = arith.constant 0 : index
    %get3A_56 = vector.load %arg6[%get3A_54, %get3A_55] : memref<1x128xf32, #tpu.memory_space<vmem>>, vector<1x128xf32>
    %mul3A_57 = vector.broadcast %get3A_56 : vector<1x128xf32> to vector<10000x128xf32>
    %mul3A_58 = arith.mulf %mul3A_53, %mul3A_57 : vector<10000x128xf32>
    %get3A_59 = arith.constant 0 : index
    %get3A_60 = arith.constant 0 : index
    %get3A_61 = vector.load %arg7[%get3A_59, %get3A_60] : memref<1x128xf32, #tpu.memory_space<vmem>>, vector<1x128xf32>
    %add3A_62 = vector.broadcast %get3A_61 : vector<1x128xf32> to vector<10000x128xf32>
    %add3A_63 = arith.addf %mul3A_58, %add3A_62 : vector<10000x128xf32>
    %swap3A = arith.constant 0 : index
    %swap3A_64 = arith.constant 0 : index
    %swap3A_65 = vector.load %arg9[%swap3A, %swap3A_64] : memref<10000x256xf32, #tpu.memory_space<vmem>>, vector<10000x128xf32>
    tpu.vector_store %arg9[%swap3A, %swap3A_64], %get3A_1 {strides = array<i32>} : memref<10000x256xf32, #tpu.memory_space<vmem>>, vector<10000x128xf32>,
    %swap3A_66 = arith.constant 0 : index
    %swap3A_67 = arith.constant 128 : index
    %swap3A_68 = vector.load %arg9[%swap3A_66, %swap3A_67] : memref<10000x256xf32, #tpu.memory_space<vmem>>, vector<10000x128xf32>
    tpu.vector_store %arg9[%swap3A_66, %swap3A_67], %add3A_63 {strides = array<i32>} : memref<10000x256xf32, #tpu.memory_space<vmem>>, vector<10000x128xf32>,
    %iota3A = tpu.iota {dimensions = array<i32: 0>} : vector<64x1xi32>
    %get3A_69 = arith.constant 0 : index
    %get3A_70 = arith.constant 0 : index
    %get3A_71 = vector.load %arg8[%get3A_69, %get3A_70] : memref<1x10000xi32, #tpu.memory_space<vmem>>, vector<1x10000xi32>
    %eq3A = vector.broadcast %iota3A : vector<64x1xi32> to vector<64x10000xi32>
    %eq3A_72 = vector.broadcast %get3A_71 : vector<1x10000xi32> to vector<64x10000xi32>
    %eq3A_73 = arith.cmpi eq, %eq3A, %eq3A_72 : vector<64x10000xi32>
    %convert_element_type3A = arith.extui %eq3A_73 : vector<64x10000xi1> to vector<64x10000xi32>
    %convert_element_type3A_74 = arith.sitofp %convert_element_type3A : vector<64x10000xi32> to vector<64x10000xf32>
    %dot_general3A_75 = arith.constant dense<0.000000e+00> : vector<64x128xf32>
    %dot_general3A_76 = tpu.matmul %convert_element_type3A_74, %get3A_1, %dot_general3A_75 {dimension_numbers = #tpu.dot_dimension_numbers<[1], [0], [0], [1], [0, 0, 1, 1], [], []>, transpose_lhs_hint = false} : vector<64x10000xf32>, vector<10000x128xf32>, vector<64x128xf32> -> vector<64x128xf32>
    %swap3A_77 = arith.constant 0 : index
    %swap3A_78 = arith.constant 0 : index
    %swap3A_79 = vector.load %arg10[%swap3A_77, %swap3A_78] : memref<64x256xf32, #tpu.memory_space<vmem>>, vector<64x128xf32>
    tpu.vector_store %arg10[%swap3A_77, %swap3A_78], %dot_general3A_76 {strides = array<i32>} : memref<64x256xf32, #tpu.memory_space<vmem>>, vector<64x128xf32>,
    %dot_general3A_80 = arith.constant dense<0.000000e+00> : vector<64x128xf32>
    %dot_general3A_81 = tpu.matmul %convert_element_type3A_74, %add3A_63, %dot_general3A_80 {dimension_numbers = #tpu.dot_dimension_numbers<[1], [0], [0], [1], [0, 0, 1, 1], [], []>, transpose_lhs_hint = false} : vector<64x10000xf32>, vector<10000x128xf32>, vector<64x128xf32> -> vector<64x128xf32>
    %swap3A_82 = arith.constant 0 : index
    %swap3A_83 = arith.constant 128 : index
    %swap3A_84 = vector.load %arg10[%swap3A_82, %swap3A_83] : memref<64x256xf32, #tpu.memory_space<vmem>>, vector<64x128xf32>
    tpu.vector_store %arg10[%swap3A_82, %swap3A_83], %dot_general3A_81 {strides = array<i32>} : memref<64x256xf32, #tpu.memory_space<vmem>>, vector<64x128xf32>,
    return
  }
}

module attributes {stable_mosaic.version = 14 : i64} {
  func.func @_mlp_bn_body(%arg0: memref<10000x128xf32, #tpu.memory_space<vmem>>, %arg1: memref<2x10000x128xf32, #tpu.memory_space<vmem>>, %arg2: memref<128x128xf32, #tpu.memory_space<vmem>>, %arg3: memref<1x128xf32, #tpu.memory_space<vmem>>, %arg4: memref<128x128xf32, #tpu.memory_space<vmem>>, %arg5: memref<1x128xf32, #tpu.memory_space<vmem>>, %arg6: memref<1x128xf32, #tpu.memory_space<vmem>>, %arg7: memref<1x128xf32, #tpu.memory_space<vmem>>, %arg8: memref<10000x128xf32, #tpu.memory_space<vmem>>) attributes {dimension_semantics = [], scalar_prefetch = 0 : i64, scratch_operands = 0 : i64, tpu.core_type = #tpu.core_type<tc>} {
    %get3A = arith.constant 0 : index
    %get3A_0 = arith.constant 0 : index
    %get3A_1 = vector.load %arg0[%get3A, %get3A_0] : memref<10000x128xf32, #tpu.memory_space<vmem>>, vector<10000x128xf32>
    %get3A_2 = arith.constant 0 : index
    %get3A_3 = arith.constant 0 : index
    %get3A_4 = arith.constant 0 : index
    %get3A_5 = vector.load %arg1[%get3A_2, %get3A_3, %get3A_4] : memref<2x10000x128xf32, #tpu.memory_space<vmem>>, vector<1x10000x128xf32>
    %get3A_6 = vector.shape_cast %get3A_5 : vector<1x10000x128xf32> to vector<10000x128xf32>
    %add3A = arith.addf %get3A_1, %get3A_6 : vector<10000x128xf32>
    %get3A_7 = arith.constant 1 : index
    %get3A_8 = arith.constant 0 : index
    %get3A_9 = arith.constant 0 : index
    %get3A_10 = vector.load %arg1[%get3A_7, %get3A_8, %get3A_9] : memref<2x10000x128xf32, #tpu.memory_space<vmem>>, vector<1x10000x128xf32>
    %get3A_11 = vector.shape_cast %get3A_10 : vector<1x10000x128xf32> to vector<10000x128xf32>
    %add3A_12 = arith.addf %add3A, %get3A_11 : vector<10000x128xf32>
    %get3A_13 = arith.constant 0 : index
    %get3A_14 = arith.constant 0 : index
    %get3A_15 = vector.load %arg2[%get3A_13, %get3A_14] : memref<128x128xf32, #tpu.memory_space<vmem>>, vector<128x128xf32>
    %dot_general3A = arith.constant dense<0.000000e+00> : vector<10000x128xf32>
    %dot_general3A_16 = tpu.matmul %add3A_12, %get3A_15, %dot_general3A {dimension_numbers = #tpu.dot_dimension_numbers<[1], [0], [0], [1], [0, 0, 1, 1], [], []>, transpose_lhs_hint = false} : vector<10000x128xf32>, vector<128x128xf32>, vector<10000x128xf32> -> vector<10000x128xf32>
    %get3A_17 = arith.constant 0 : index
    %get3A_18 = arith.constant 0 : index
    %get3A_19 = vector.load %arg3[%get3A_17, %get3A_18] : memref<1x128xf32, #tpu.memory_space<vmem>>, vector<1x128xf32>
    %add3A_20 = vector.broadcast %get3A_19 : vector<1x128xf32> to vector<10000x128xf32>
    %add3A_21 = arith.addf %dot_general3A_16, %add3A_20 : vector<10000x128xf32>
    %max3A = arith.constant 0.000000e+00 : f32
    %max3A_22 = vector.broadcast %max3A : f32 to vector<10000x128xf32>
    %max3A_23 = arith.maximumf %add3A_21, %max3A_22 : vector<10000x128xf32>
    %get3A_24 = arith.constant 0 : index
    %get3A_25 = arith.constant 0 : index
    %get3A_26 = vector.load %arg4[%get3A_24, %get3A_25] : memref<128x128xf32, #tpu.memory_space<vmem>>, vector<128x128xf32>
    %dot_general3A_27 = arith.constant dense<0.000000e+00> : vector<10000x128xf32>
    %dot_general3A_28 = tpu.matmul %max3A_23, %get3A_26, %dot_general3A_27 {dimension_numbers = #tpu.dot_dimension_numbers<[1], [0], [0], [1], [0, 0, 1, 1], [], []>, transpose_lhs_hint = false} : vector<10000x128xf32>, vector<128x128xf32>, vector<10000x128xf32> -> vector<10000x128xf32>
    %get3A_29 = arith.constant 0 : index
    %get3A_30 = arith.constant 0 : index
    %get3A_31 = vector.load %arg5[%get3A_29, %get3A_30] : memref<1x128xf32, #tpu.memory_space<vmem>>, vector<1x128xf32>
    %add3A_32 = vector.broadcast %get3A_31 : vector<1x128xf32> to vector<10000x128xf32>
    %add3A_33 = arith.addf %dot_general3A_28, %add3A_32 : vector<10000x128xf32>
    %max3A_34 = arith.constant 0.000000e+00 : f32
    %max3A_35 = vector.broadcast %max3A_34 : f32 to vector<10000x128xf32>
    %max3A_36 = arith.maximumf %add3A_33, %max3A_35 : vector<10000x128xf32>
    %reduce_sum3A = arith.constant dense<0.000000e+00> : vector<128xf32>
    %reduce_sum3A_37 = vector.multi_reduction <add>, %max3A_36, %reduce_sum3A [0] : vector<10000x128xf32> to vector<128xf32>
    %broadcast_in_dim3A = vector.shape_cast %reduce_sum3A_37 : vector<128xf32> to vector<1x128xf32>
    %div3A = arith.constant 1.000000e+04 : f32
    %div3A_38 = vector.broadcast %div3A : f32 to vector<1x128xf32>
    %div3A_39 = arith.divf %broadcast_in_dim3A, %div3A_38 : vector<1x128xf32>
    %mul3A = arith.mulf %max3A_36, %max3A_36 : vector<10000x128xf32>
    %reduce_sum3A_40 = arith.constant dense<0.000000e+00> : vector<128xf32>
    %reduce_sum3A_41 = vector.multi_reduction <add>, %mul3A, %reduce_sum3A_40 [0] : vector<10000x128xf32> to vector<128xf32>
    %broadcast_in_dim3A_42 = vector.shape_cast %reduce_sum3A_41 : vector<128xf32> to vector<1x128xf32>
    %div3A_43 = arith.constant 1.000000e+04 : f32
    %div3A_44 = vector.broadcast %div3A_43 : f32 to vector<1x128xf32>
    %div3A_45 = arith.divf %broadcast_in_dim3A_42, %div3A_44 : vector<1x128xf32>
    %mul3A_46 = arith.mulf %div3A_39, %div3A_39 : vector<1x128xf32>
    %sub3A = arith.subf %div3A_45, %mul3A_46 : vector<1x128xf32>
    %sub3A_47 = vector.broadcast %div3A_39 : vector<1x128xf32> to vector<10000x128xf32>
    %sub3A_48 = arith.subf %max3A_36, %sub3A_47 : vector<10000x128xf32>
    %add3A_49 = arith.constant 9.99999974E-6 : f32
    %add3A_50 = vector.broadcast %add3A_49 : f32 to vector<1x128xf32>
    %add3A_51 = arith.addf %sub3A, %add3A_50 : vector<1x128xf32>
    %rsqrt3A = math.rsqrt %add3A_51 : vector<1x128xf32>
    %mul3A_52 = vector.broadcast %rsqrt3A : vector<1x128xf32> to vector<10000x128xf32>
    %mul3A_53 = arith.mulf %sub3A_48, %mul3A_52 : vector<10000x128xf32>
    %get3A_54 = arith.constant 0 : index
    %get3A_55 = arith.constant 0 : index
    %get3A_56 = vector.load %arg6[%get3A_54, %get3A_55] : memref<1x128xf32, #tpu.memory_space<vmem>>, vector<1x128xf32>
    %mul3A_57 = vector.broadcast %get3A_56 : vector<1x128xf32> to vector<10000x128xf32>
    %mul3A_58 = arith.mulf %mul3A_53, %mul3A_57 : vector<10000x128xf32>
    %get3A_59 = arith.constant 0 : index
    %get3A_60 = arith.constant 0 : index
    %get3A_61 = vector.load %arg7[%get3A_59, %get3A_60] : memref<1x128xf32, #tpu.memory_space<vmem>>, vector<1x128xf32>
    %add3A_62 = vector.broadcast %get3A_61 : vector<1x128xf32> to vector<10000x128xf32>
    %add3A_63 = arith.addf %mul3A_58, %add3A_62 : vector<10000x128xf32>
    %swap3A = arith.constant 0 : index
    %swap3A_64 = arith.constant 0 : index
    %swap3A_65 = vector.load %arg8[%swap3A, %swap3A_64] : memref<10000x128xf32, #tpu.memory_space<vmem>>, vector<10000x128xf32>
    tpu.vector_store %arg8[%swap3A, %swap3A_64], %add3A_63 {strides = array<i32>} : memref<10000x128xf32, #tpu.memory_space<vmem>>, vector<10000x128xf32>,
    return
  }
}

</mosaic_0001>

<sc_bundles>
// kernel: kernel.6.cloned.1.call-start
scs
__scs_entry_jumppad:
0x0: {  	(pc) =	sbr.rel $0x88, $3  }
0x1: {  	(tag) =	ssettag $0x0;
	lr =	simm.s32 $0x1  }
0x2: {  	[smem:$0x3F92] =	sst lr;
	_ =	strace $0xD0000000  }
0x3: {  	_ = 	snop  }
0x4: {  	_ = 	snop  }
0x5: {  	_ = 	snop  }
0x6: {  	_ = 	snop  }
0x7: {  	_ = 	snop  }
__scs_overlays_trampoline_lowered:
0x8: {  	[smem:$0x3FA1] =	sst s0  }
0x9: {  	[smem:$0x3FA2] =	sst s1  }
0xa: {  	[smem:$0x3FA3] =	sst s2  }
0xb: {  	[smem:$0x3FA4] =	sst s3  }
0xc: {  	[smem:$0x3FA5] =	sst s4  }
0xd: {  	[smem:$0x3FA6] =	sst s5  }
0xe: {  	[smem:$0x3FA7] =	sst s6  }
0xf: {  	[smem:$0x3FA8] =	sst s7  }
0x10: {  	[smem:$0x3FA9] =	sst s8  }
0x11: {  	[smem:$0x3FAA] =	sst s9;
	s0 =	simm.s32 @!p0 $0x0  }
0x12: {  	s1 =	sld [smem:$0x3F90];
	s0 =	simm.s32 @p0 $0x1  }
0x13: {  	[smem:$0x3FAB] =	sst s0;
	s0 =	simm.s32 @!p1 $0x0  }
0x14: {  	s2 =	sld [smem:$0x3F8F];
	s0 =	simm.s32 @p1 $0x1  }
0x15: {  	[smem:$0x3FAC] =	sst s0;
	s0 =	simm.s32 @!p2 $0x0  }
0x16: {  	s3 =	sld [smem:$0x3FDB];
	s0 =	simm.s32 @p2 $0x1  }
0x17: {  	s4 =	simm.s32 $0x1BF5;
	[smem:$0x3FAE] =	sst s0  }
0x18: {  	s0 =	sld [smem:$0x3F91];
	_ =	swait.ge [sflag:s4], $0x0  }
0x19: {  	s7 =	sld [smem:$0x3F92]  }
0x1a: {  	s8 =	sadd.s32 $0xFFFFE003, lr  }
0x1b: {  	s9 =	sadd.s32 $0xFFFFFEF7, lr;
	s5 =	simm.s32 $0xFFFFFFFF;
	p2 =	slt.u32 s8, $0xFFFFF086  }
0x1c: {  	p1 =	slt.u32 s9, $0xF7A;
	s5 =	simm.s32 @!p2 $0x0  }
0x1d: {  	s5 =	simm.s32 @p1 $0x1;
	p0 =	seq.s32 s7, s2  }
0x1e: {  	s7 =	smul.u32 @!p0 $0xF7A, s2;
	p2 =	seq.s32 @!p0 s5, $0x0  }
0x1f: {  	s9 =	smul.u32 $0xF7A, s1;
	s8 =	simm.s32 @!p0 $0x1BF5;
	p2 =	por !p2, p0  }
0x20: {  	[sflag:s8] =	ssyncset.s32 @!p0 $0xFFFFF086;
	s6 =	sadd.s32 @!p0 s3, s7;
	s7 =	simm.s32 @!p0 $0x108  }
0x21: {  	s3 =	sadd.s32 s3, s9;
	s6 =	sadd.s32 @!p0 $0x88, s6;
	s7 =	simm.s32 @p2 $0x1082  }
0x22: {  	[simem:s7], [sflag:s8] =	dma.local @!p0 [hbm:s6], $0xF7A  }
0x23: {  	s9 =	sor.u32 $0xD0000000, s2;
	s6 =	simm.s32 $0x108;
	_ =	swait.ge @!p0 [sflag:s8], $0x0  }
0x24: {  	s3 =	sadd.s32 $0x88, s3;
	s6 =	simm.s32 @!p1 $0x1082;
	[sflag:s4] =	ssyncset.s32 $0xFFFFF086  }
0x25: {  	[simem:s6], [sflag:s4] =	dma.local [hbm:s3], $0xF7A  }
0x26: {  	[smem:$0x3F92] =	sst s1;
	(tag) =	ssettag s2;
	_ =	strace s9  }
0x27: {  	s1 =	sld [smem:$0x3FA2]  }
0x28: {  	s2 =	sld [smem:$0x3FA3]  }
0x29: {  	s4 =	sld [smem:$0x3FA5]  }
0x2a: {  	p0 =	seq.s32 s5, $0x0;
	s5 =	sld [smem:$0x3FA6]  }
0x2b: {  	s6 =	sld [smem:$0x3FA7]  }
0x2c: {  	s7 =	sld [smem:$0x3FA8]  }
0x2d: {  	s3 =	simm.s32 $0x108;
	s8 =	sld [smem:$0x3FA9]  }
0x2e: {  	s3 =	simm.s32 @!p0 $0x1082;
	s9 =	sld [smem:$0x3FAA]  }
0x2f: {  	lr =	sadd.s32 s0, s3;
	s0 =	sld [smem:$0x3FA1]  }
0x30: {  	s3 =	sld [smem:$0x3FA4]  }
0x31: {  	[smem:$0x3FAD] =	sst s10  }
0x32: {  	s10 =	sld [smem:$0x3FAB];
	_ =	sdelay $0x3  }
0x33: {  	p0 =	seq.s32 s10, $0x1;
	s10 =	sld [smem:$0x3FAD];
	_ =	sdelay $0x3  }
0x34: {  	[smem:$0x3FAD] =	sst s10  }
0x35: {  	s10 =	sld [smem:$0x3FAC];
	_ =	sdelay $0x3  }
0x36: {  	p1 =	seq.s32 s10, $0x1;
	s10 =	sld [smem:$0x3FAD];
	_ =	sdelay $0x3  }
0x37: {  	[smem:$0x3FAD] =	sst s10  }
0x38: {  	s10 =	sld [smem:$0x3FAE]  }
0x39: {  	_ = 	snop;
	(pc) =	sbr.ind lr, $3  }
0x3a: {  	_ = 	snop  }
0x3b: {  	_ = 	snop  }
0x3c: {  	p2 =	seq.s32 s10, $0x1;
	s10 =	sld [smem:$0x3FAD]  }
0x3d: {  	_ =	shalt  }
0x3e: {  	_ =	shalt  }
0x3f: {  	_ =	shalt  }
0x40: {  	_ =	shalt  }
0x41: {  	_ =	shalt  }
0x42: {  	_ =	shalt  }
0x43: {  	_ =	shalt  }
0x44: {  	_ =	shalt  }
0x45: {  	_ =	shalt  }
0x46: {  	_ =	shalt  }
0x47: {  	_ =	shalt  }
0x48: {  	_ =	shalt  }
0x49: {  	_ =	shalt  }
0x4a: {  	_ =	shalt  }
0x4b: {  	_ =	shalt  }
0x4c: {  	_ =	shalt  }
0x4d: {  	_ =	shalt  }
0x4e: {  	_ =	shalt  }
0x4f: {  	_ =	shalt  }
0x50: {  	_ =	shalt  }
0x51: {  	_ =	shalt  }
0x52: {  	_ =	shalt  }
0x53: {  	_ =	shalt  }
0x54: {  	_ =	shalt  }
0x55: {  	_ =	shalt  }
0x56: {  	_ =	shalt  }
0x57: {  	_ =	shalt  }
0x58: {  	_ =	shalt  }
0x59: {  	_ =	shalt  }
0x5a: {  	_ =	shalt  }
0x5b: {  	_ =	shalt  }
0x5c: {  	_ =	shalt  }
0x5d: {  	_ =	shalt  }
0x5e: {  	_ =	shalt  }
0x5f: {  	_ =	shalt  }
0x60: {  	_ =	shalt  }
0x61: {  	_ =	shalt  }
0x62: {  	_ =	shalt  }
0x63: {  	_ =	shalt  }
0x64: {  	_ =	shalt  }
0x65: {  	_ =	shalt  }
0x66: {  	_ =	shalt  }
0x67: {  	_ =	shalt  }
0x68: {  	_ =	shalt  }
0x69: {  	_ =	shalt  }
0x6a: {  	_ =	shalt  }
0x6b: {  	_ =	shalt  }
0x6c: {  	_ =	shalt  }
0x6d: {  	_ =	shalt  }
0x6e: {  	_ =	shalt  }
0x6f: {  	_ =	shalt  }
0x70: {  	_ =	shalt  }
0x71: {  	_ =	shalt  }
0x72: {  	_ =	shalt  }
0x73: {  	_ =	shalt  }
0x74: {  	_ =	shalt  }
0x75: {  	_ =	shalt  }
0x76: {  	_ =	shalt  }
0x77: {  	_ =	shalt  }
0x78: {  	_ =	shalt  }
0x79: {  	_ =	shalt  }
0x7a: {  	_ =	shalt  }
0x7b: {  	_ =	shalt  }
0x7c: {  	_ =	shalt  }
0x7d: {  	_ =	shalt  }
0x7e: {  	_ =	shalt  }
0x7f: {  	_ =	shalt  }
0x80: {  	_ =	shalt  }
0x81: {  	_ =	shalt  }
0x82: {  	_ =	shalt  }
0x83: {  	_ =	shalt  }
0x84: {  	_ =	shalt  }
0x85: {  	_ =	shalt  }
0x86: {  	_ =	shalt  }
0x87: {  	_ =	shalt  }
.Lfunc_end0:
.L_simem_size_0:
called_computation_lowered:
.L_overlay_start_0:
0x88: {  	s2 =	sld [smem:$0x3FD9]  }
0x89: {  	s3 =	sld [smem:$0x3FFE];
	_ =	sdelay $0x1  }
0x8a: {  	s1 =	srdreg.scid  }
0x8b: {  	s0 =	sand.u32 $0x1, s1  }
0x8c: {  	s14 =	sshll.u32 s0, $0xA;
	s2 =	sadd.s32 s3, s2  }
0x8d: {  	s2 =	sadd.s32 s2, s14  }
0x8e: {  	[smem:$0x3FB9] =	sst s2  }
0x8f: {  	_ = 	snop  }
0x90: {  	s2 =	sld [smem:$0x3FD0];
	_ =	sdelay $0x2  }
0x91: {  	s4 =	simm.s32 $0xA;
	s5 =	simm.s32 $0x10;
	s15 =	sld [smem:$0x3FC9]  }
0x92: {  	[smem:s5], [sflag:s4] =	dma.local [hbm:s2], $0x1  }
0x93: {  	_ =	swait.eq [sflag:s4], $0x1  }
0x94: {  	[sflag:s4] =	ssyncset.done $0x0  }
0x95: {  	[sflag:s4] =	ssyncadd.s32 $0xFFFFFFFF  }
0x96: {  	s16 =	sld [smem:$0x10];
	(tm) =	ssettm $0x1  }
0x97: {  	s17 =	sld [smem:$0x3FFB];
	_ =	sdelay $0x3  }
0x98: {  	_ =	strace s17  }
0x99: {  	s4 =	sld [smem:$0x3FFC];
	_ =	sdelay $0x3  }
0x9a: {  	_ =	strace s4  }
0x9b: {  	s4 =	sld [smem:$0x3FFD];
	_ =	sdelay $0x3  }
0x9c: {  	_ =	strace s4  }
0x9d: {  	_ =	strace $0x8FFFFFFF  }
0x9e: {  	s18 =	sld [smem:$0x3FDB];
	_ =	sdelay $0x1  }
0x9f: {  	s19 =	simm.s32 $_scs_section_size  }
0xa0: {  	s6 =	simm.s32 $_size__tile_overlayer_lowered;
	s7 =	simm.s32 $_tile_overlayer_lowered  }
0xa1: {  	s22 =	simm.s32 $0x1BFF;
	s21 =	sshll.u32 s7, $0x1;
	s4 =	sadd.s32 s19, s18  }
0xa2: {  	s8 =	simm.s32 $0x0;
	s20 =	sshll.u32 s6, $0x1;
	s6 =	sadd.s32 s21, s4  }
0xa3: {  	[timem:s8], [sflag:s22] =	dma.local [hbm:s6], s20  }
0xa4: {  	_ =	swait.ge [sflag:s22], s20  }
0xa5: {  	s5 =	ssub.s32 $0x0, s20;
	[sflag:s22] =	ssyncset.done $0x0  }
0xa6: {  	[sflag:s22] =	ssyncadd.s32 s5;
	_ =	sdelay $0x1  }
0xa7: {  	s23 =	simm.s32 $0x1B8B  }
0xa8: {  	_ =	swait.ge [sflag:s23], $0x1  }
0xa9: {  	[sflag:s23] =	ssyncset.done $0x0  }
0xaa: {  	s25 =	simm.s32 $0x1B8E;
	s24 =	sld [smem:$0x3FFE];
	[sflag:s23] =	ssyncadd.s32 $0xFFFFFFFF  }
0xab: {  	s26 =	simm.s32 $execute0_lowered;
	[smem:$0x3FD2] =	sst s25  }
0xac: {  	s6 =	sshll.u32 s26, $0x1;
	_ =	strace $0x80000046;
	[dreg:$0x1] =	wrdreg $0xFFFFFFFF  }
0xad: {  	s28 =	simm.s32 $_size_execute0_lowered;
	s4 =	sadd.s32 s4, s6;
	[dreg:$0x0] =	wrdreg $0x0  }
0xae: {  	s6 =	sshll.u32 s28, $0x1;
	[dreg:$0x2] =	wrdreg s4  }
0xaf: {  	[dreg:$0x3] =	wrdreg s6  }
0xb0: {  	[dreg:$0x4] =	wrdreg $0xC0  }
0xb1: {  	_ =	task [dreg:s8], $0x5FFFF  }
0xb2: {  	[dreg:$0x1] =	wrdreg $0xFFFFFFFF  }
0xb3: {  	[dreg:$0x0] =	wrdreg $0x60  }
0xb4: {  	[dreg:$0x2] =	wrdreg s15  }
0xb5: {  	[dreg:$0x3] =	wrdreg s24  }
0xb6: {  	[dreg:$0x4] =	wrdreg s16  }
0xb7: {  	[dreg:$0x5] =	wrdreg $0x7B000  }
0xb8: {  	[dreg:$0x6] =	wrdreg $0x9  }
0xb9: {  	_ =	task.clear_ibuf [dreg:s8], $0x7FFFF;
	_ =	strace $0x90000046  }
0xba: {  	s29 =	simm.s32 $0x9;
	_ =	strace $0x80000048  }
0xbb: {  	_ =	swait.ge [sflag:s29], $0x1  }
0xbc: {  	[sflag:s29] =	ssyncadd.s32 $0xFFFFFFFF  }
0xbd: {  	_ =	strace $0x90000048  }
0xbe: {  	_ =	sfence  }
0xbf: {  	s30 =	sld [smem:$0x0];
	_ =	sdelay $0x2  }
0xc0: {  	s31 =	sshll.u32 s1, $0xD;
	s1 =	sshrl.u32 s1, $0x2  }
0xc1: {  	s3 =	sand.u32 $0x4000, s31;
	s1 =	sadd.s32 s1, s30  }
0xc2: {  	s0 =	sor.u32 s3, s0;
	s1 =	sshll.u32 s1, $0x11  }
0xc3: {  	s0 =	sor.u32 s1, s0  }
0xc4: {  	s0 =	sadd.s32 $0x8F2B, s0  }
0xc5: {  	[sflag:s0] =	ssyncadd.remote.s32 $0x1  }
0xc6: {  	_ =	sfence.sel $0xFFFF  }
0xc7: {  	[dreg:$0x0] =	wrdreg $0xFFFFFFFF;
	(pc) =	sbr.abs _section_cstart, $3  }
0xc8: {  	[dreg:$0x1] =	wrdreg $0xFFFFFFFF  }
0xc9: {  	_ =	task.clear_ibuf [dreg:s8], $0x2FFFF;
	_ =	strace $0x9FFFFFFF  }
0xca: {  	(tm) =	ssettm $0x7FFFFFFF  }
0xcb: {  	_ =	shalt  }
tec
execute0_lowered:
.L_overlay_start_1:
0x0: {  	(tag) =	ssettag $0x1  }
0x1: {  	s1 =	rddreg [dreg:$0x0]  }
0x2: {  	s0 =	rddreg [dreg:$0x1]  }
0x3: {  	s2 =	rddreg [dreg:$0x2];
	s4 =	srdreg.scid  }
0x4: {  	s11 =	stileid.u32;
	s3 =	rddreg [dreg:$0x3];
	s28 =	simm.s32 $0x300  }
0x5: {  	s29 =	simm.s32 $0x2;
	s30 =	simm.s32 $0x2B00;
	s17 =	smul.u32 $0x7D000, s11  }
0x6: {  	s31 =	simm.s32 $0x4;
	s6 =	sand.u32 $0x1, s4;
	s21 =	smul.u32 $0x4E20, s11  }
0x7: {  	s5 =	sshll.u32 s11, $0x1;
	s4 =	simm.s32 $0x0;
	s19 =	smul.u32 $0x27100, s6  }
0x8: {  	s5 =	sor.u32 s6, s5;
	s8 =	ssub.s32 $0x2, s6;
	s6 =	smul.u32 $0x2710, s6  }
0x9: {  	p0 =	sgt.u32 s11, $0x9;
	[smem:$0x7FF] =	sst s4;
	s7 =	smul.u32 $0x2710, s5  }
0xa: {  	s5 =	sadd.s32 $0x3200, s0;
	s0 =	sadd.s32 $0x16C00, s0;
	s16 =	sshrl.u32 s8, $0x1  }
0xb: {  	_ =	strace $0x80000047;
	[dreg:$0x6] =	wrdreg s0;
	s0 =	ssub.s32 s8, s16  }
0xc: {  	s8 =	sshrl.u32 s17, $0x2;
	s2 =	sadd.s32 s2, s19;
	s6 =	sadd.s32 s6, s21  }
0xd: {  	s19 =	simm.s32 $0x180;
	s9 =	sshrl.u32 s7, $0x3;
	s8 =	sadd.s32 s8, s3  }
0xe: {  	s7 =	sadd.s32 $0x190, s7;
	s0 =	smax.u32 s0, $0x1;
	[dreg:$0xd] =	wrdreg s8  }
0xf: {  	s22 =	sadd.s32 $0x140, s6;
	s23 =	sadd.s32 $0x4E340, s6;
	[dreg:$0x5] =	wrdreg s7  }
0x10: {  	s24 =	sadd.s32 $0x4E2F0, s6;
	s6 =	sadd.s32 $0xF0, s6;
	[dreg:$0xe] =	wrdreg s0  }
0x11: {  	s21 =	simm.s32 $0x200;
	s12 =	sadd.s32 s5, s9;
	[dreg:$0x11] =	wrdreg s6  }
0x12: {  	s7 =	smul.u32 $0x3E80, s11;
	s9 =	sadd.s32 $0x9C40, s12;
	[dreg:$0x7] =	wrdreg s12  }
0x13: {  	s0 =	sshrl.u32 s22, $0x3;
	s18 =	sadd.s32 $0xA, s12;
	[dreg:$0x8] =	wrdreg s9  }
0x14: {  	s8 =	sshrl.u32 s23, $0x3;
	s10 =	sadd.s32 $0x9C4A, s12;
	[dreg:$0x9] =	wrdreg s18  }
0x15: {  	s26 =	sshrl.u32 s24, $0x3;
	s20 =	sadd.s32 $0x14, s12;
	[dreg:$0xa] =	wrdreg s10  }
0x16: {  	s22 =	simm.s32 $0x100;
	s12 =	sadd.s32 $0x9C54, s12;
	[dreg:$0xb] =	wrdreg s20  }
0x17: {  	s23 =	simm.s32 $0x280;
	s0 =	sadd.s32 s0, s5;
	[dreg:$0xc] =	wrdreg s12  }
0x18: {  	s6 =	simm.s32 $0x7;
	s25 =	sadd.s32 s8, s5;
	[dreg:$0xf] =	wrdreg s0  }
0x19: {  	s8 =	simm.s32 $0x5;
	[dreg:$0x10] =	wrdreg s25;
	s18 =	sadd.s32 s26, s5  }
0x1a: {  	s20 =	simm.s32 $0x80;
	s0 =	sadd.s32 @!p0 s7, s2;
	s25 =	simm.s32 $0x1  }
0x1b: {  	s26 =	simm.s32 $0x50;
	s2 =	simm.s32 $0x3;
	s9 =	simm.s32 $0x6  }
0x1c: {  	s10 =	simm.s32 $0x0;
	[dreg:$0x12] =	wrdreg s0;
	s0 =	simm.s32 $0x5300  }
.LBB2_1:
0x1d: {  	s7 =	rddreg [dreg:$0x7]  }
0x1e: {  	s12 =	rddreg [dreg:$0x8]  }
0x1f: {  	s13 =	rddreg [dreg:$0x9]  }
0x20: {  	[tilespmem:s4], [sflag:$0x1] =	stream.linear.gather [hbm4b:s7+s4], $0x50, $0x38;
	[tilespmem:$0x1B380] =	vst v63  }
0x21: {  	s14 =	rddreg [dreg:$0xa]  }
0x22: {  	[tilespmem:s19], [sflag:$0x1] =	stream.linear.gather [hbm4b:s12+s4], $0x50, $0x38;
	[tilespmem:$0x1B380] =	vst v63  }
0x23: {  	s15 =	rddreg [dreg:$0xb];
	s7 =	stileid.u32  }
0x24: {  	[tilespmem:s20], [sflag:$0x2] =	stream.linear.gather [hbm4b:s13+s4], $0x50, $0x38;
	[tilespmem:$0x1B380] =	vst v63  }
0x25: {  	s16 =	rddreg [dreg:$0xc];
	s7 =	sshll.u32 @!p0 s7, $0x6  }
0x26: {  	[tilespmem:s21], [sflag:$0x2] =	stream.linear.gather [hbm4b:s14+s4], $0x50, $0x38;
	[tilespmem:$0x1B380] =	vst v63  }
0x27: {  	s11 =	sor.u32 @!p0 $0x1C07, s7;
	s7 =	rddreg [dreg:$0xd]  }
0x28: {  	[tilespmem:s22], [sflag:$0x3] =	stream.linear.gather [hbm4b:s15+s4], $0x50, $0x38;
	[tilespmem:$0x1B380] =	vst v63  }
0x29: {  	s12 =	sshrl.u32 @!p0 s7, $0x3;
	s7 =	rddreg [dreg:$0x6]  }
0x2a: {  	[tilespmem:s23], [sflag:$0x3] =	stream.linear.gather [hbm4b:s16+s4], $0x50, $0x38;
	[tilespmem:$0x1B380] =	vst v63  }
0x2b: {  	[spmem:s12], [sflag:s11] =	dma.local @!p0 [hbm:s7], $0x3E80  }
0x2c: {  	s7 =	simm.s32 @!p0 $0x7  }
0x2d: {  	_ =	swait.ge @!p0 [sflag:s7], $0x3E80  }
0x2e: {  	[sflag:s7] =	ssyncset.done @!p0 $0x0  }
0x2f: {  	[sflag:s7] =	ssyncadd.s32 @!p0 $0xFFFFC180  }
0x30: {  	_ =	swait.ge [sflag:s25], $0x50  }
0x31: {  	[sflag:s25] =	ssyncset.done $0x0  }
0x32: {  	[sflag:s25] =	ssyncadd.s32 $0xFFFFFFB0  }
0x33: {  	_ =	swait.ge [sflag:s25], $0x50  }
0x34: {  	[sflag:s25] =	ssyncset.done $0x0  }
0x35: {  	[sflag:s25] =	ssyncadd.s32 $0xFFFFFFB0  }
0x36: {  	[tilespmem:s28], [sflag:$0x4] =	stream.indirect.gather [hbm4b:s1+s26], $0x80, s4, s26, $0xb8;
	[tilespmem:$0x1B380] =	vst v63  }
0x37: {  	_ =	swait.ge [sflag:s29], $0x50  }
0x38: {  	[sflag:s29] =	ssyncset.done $0x0  }
0x39: {  	[sflag:s29] =	ssyncadd.s32 $0xFFFFFFB0  }
0x3a: {  	_ =	swait.ge [sflag:s29], $0x50  }
0x3b: {  	[sflag:s29] =	ssyncset.done $0x0  }
0x3c: {  	[sflag:s29] =	ssyncadd.s32 $0xFFFFFFB0  }
0x3d: {  	[tilespmem:s30], [sflag:$0x5] =	stream.indirect.gather [hbm4b:s1+s26], $0x80, s20, s26, $0xb8;
	[tilespmem:$0x1B380] =	vst v63  }
0x3e: {  	[bflag:$0x0] =	sbarrier.arrive $0xFFFF  }
0x3f: {  	_ =	swait.ge [sflag:s31], $0x2800  }
0x40: {  	[sflag:s31] =	ssyncset.done $0x0  }
0x41: {  	[sflag:s31] =	ssyncadd.s32 $0xFFFFD800  }
0x42: {  	_ =	swait.ge [sflag:s2], $0x50  }
0x43: {  	[sflag:s2] =	ssyncset.done $0x0  }
0x44: {  	[sflag:s2] =	ssyncadd.s32 $0xFFFFFFB0  }
0x45: {  	_ =	swait.ge [sflag:s2], $0x50  }
0x46: {  	[sflag:s2] =	ssyncset.done $0x0  }
0x47: {  	[sflag:s2] =	ssyncadd.s32 $0xFFFFFFB0  }
0x48: {  	[tilespmem:s0], [sflag:$0x6] =	stream.indirect.gather [hbm4b:s1+s26], $0x80, s22, s26, $0xb8;
	[tilespmem:$0x1B380] =	vst v63  }
0x49: {  	_ = 	snop  }
0x4a: {  	[spmem:s3] =	stream.indirect.scatter.add.f32 [tilespmem:s28], [sflag:$0x7], $0x80, s19, s26, $0xb8;
	[tilespmem:$0x1B380] =	vst v63  }
0x4b: {  	_ =	swait.ge [sflag:s6], $0x2800  }
0x4c: {  	s16 =	rddreg [dreg:$0x11]  }
0x4d: {  	[sflag:s6] =	ssyncset.done $0x0;
	s17 =	sshrl.u32 s16, $0x3  }
0x4e: {  	[sflag:s6] =	ssyncadd.s32 $0xFFFFD800;
	s7 =	sadd.s32 s5, s17  }
0x4f: {  	[tilespmem:s4], [sflag:$0x1] =	stream.linear.gather [hbm4b:s7+s4], $0x50, $0x38;
	[tilespmem:$0x1B380] =	vst v63  }
0x50: {  	_ = 	snop  }
0x51: {  	[tilespmem:s19], [sflag:$0x1] =	stream.linear.gather [hbm4b:s18+s4], $0x50, $0x38;
	[tilespmem:$0x1B380] =	vst v63  }
0x52: {  	_ =	swait.ge [sflag:s8], $0x2800  }
0x53: {  	[sflag:s8] =	ssyncset.done $0x0  }
0x54: {  	[sflag:s8] =	ssyncadd.s32 $0xFFFFD800  }
0x55: {  	_ =	swait.ge [sflag:s25], $0x50  }
0x56: {  	[sflag:s25] =	ssyncset.done $0x0  }
0x57: {  	[sflag:s25] =	ssyncadd.s32 $0xFFFFFFB0  }
0x58: {  	_ =	swait.ge [sflag:s25], $0x50  }
0x59: {  	[sflag:s25] =	ssyncset.done $0x0  }
0x5a: {  	[sflag:s25] =	ssyncadd.s32 $0xFFFFFFB0  }
0x5b: {  	[tilespmem:s28], [sflag:$0x4] =	stream.indirect.gather [hbm4b:s1+s26], $0x80, s4, s26, $0xb8;
	[tilespmem:$0x1B380] =	vst v63  }
0x5c: {  	_ = 	snop  }
0x5d: {  	[spmem:s3] =	stream.indirect.scatter.add.f32 [tilespmem:s30], [sflag:$0x7], $0x80, s21, s26, $0xb8;
	[tilespmem:$0x1B380] =	vst v63  }
0x5e: {  	_ =	swait.ge [sflag:s6], $0x2800  }
0x5f: {  	[sflag:s6] =	ssyncset.done $0x0  }
0x60: {  	s15 =	rddreg [dreg:$0xf];
	[sflag:s6] =	ssyncadd.s32 $0xFFFFD800  }
0x61: {  	[tilespmem:s20], [sflag:$0x2] =	stream.linear.gather [hbm4b:s15+s4], $0x50, $0x38;
	[tilespmem:$0x1B380] =	vst v63  }
0x62: {  	s17 =	rddreg [dreg:$0x10]  }
0x63: {  	[tilespmem:s21], [sflag:$0x2] =	stream.linear.gather [hbm4b:s17+s4], $0x50, $0x38;
	[tilespmem:$0x1B380] =	vst v63  }
0x64: {  	_ =	swait.ge [sflag:s9], $0x2800  }
0x65: {  	[sflag:s9] =	ssyncset.done $0x0  }
0x66: {  	[sflag:s9] =	ssyncadd.s32 $0xFFFFD800  }
0x67: {  	_ =	swait.ge [sflag:s29], $0x50  }
0x68: {  	[sflag:s29] =	ssyncset.done $0x0  }
0x69: {  	[sflag:s29] =	ssyncadd.s32 $0xFFFFFFB0  }
0x6a: {  	_ =	swait.ge [sflag:s29], $0x50  }
0x6b: {  	[sflag:s29] =	ssyncset.done $0x0  }
0x6c: {  	[sflag:s29] =	ssyncadd.s32 $0xFFFFFFB0  }
0x6d: {  	[tilespmem:s30], [sflag:$0x5] =	stream.indirect.gather [hbm4b:s1+s26], $0x80, s20, s26, $0xb8;
	[tilespmem:$0x1B380] =	vst v63  }
0x6e: {  	s24 =	smin.u32 s4, $0x77  }
0x6f: {  	[spmem:s3] =	stream.indirect.scatter.add.f32 [tilespmem:s0], [sflag:$0x7], $0x80, s23, s26, $0xb8;
	[tilespmem:$0x1B380] =	vst v63  }
0x70: {  	s7 =	smul.u32 $0x50, s24;
	_ =	swait.ge [sflag:s6], $0x2800  }
0x71: {  	s13 =	rddreg [dreg:$0x5]  }
0x72: {  	s14 =	sadd.s32 $0x1E, s18;
	s7 =	sadd.s32 s7, s13  }
0x73: {  	s24 =	sadd.s32 $0xF0, s16;
	[sflag:s6] =	ssyncset.done $0x0;
	s7 =	sshrl.u32 s7, $0x3  }
0x74: {  	[sflag:s6] =	ssyncadd.s32 $0xFFFFD800;
	s13 =	simm.s32 $0x3;
	s7 =	sadd.s32 s5, s7  }
0x75: {  	[tilespmem:s22], [sflag:$0x3] =	stream.linear.gather [hbm4b:s7+s4], $0x50, $0x38;
	[tilespmem:$0x1B380] =	vst v63  }
0x76: {  	s16 =	sadd.s32 $0x9C40, s7;
	s7 =	sadd.s32 $0x1E, s15;
	s15 =	sadd.s32 $0x1E, s17  }
.LBB2_2:
0x77: {  	[tilespmem:s23], [sflag:$0x3] =	stream.linear.gather [hbm4b:s16+s4], $0x50, $0x38;
	[tilespmem:$0x1B380] =	vst v63  }
0x78: {  	_ =	swait.ge [sflag:s31], $0x2800  }
0x79: {  	[sflag:s31] =	ssyncset.done $0x0  }
0x7a: {  	[sflag:s31] =	ssyncadd.s32 $0xFFFFD800  }
0x7b: {  	_ =	swait.ge [sflag:s2], $0x50  }
0x7c: {  	[sflag:s2] =	ssyncset.done $0x0  }
0x7d: {  	[sflag:s2] =	ssyncadd.s32 $0xFFFFFFB0  }
0x7e: {  	_ =	swait.ge [sflag:s2], $0x50  }
0x7f: {  	[sflag:s2] =	ssyncset.done $0x0  }
0x80: {  	[sflag:s2] =	ssyncadd.s32 $0xFFFFFFB0  }
0x81: {  	[tilespmem:s0], [sflag:$0x6] =	stream.indirect.gather [hbm4b:s1+s26], $0x80, s22, s26, $0xb8;
	[tilespmem:$0x1B380] =	vst v63  }
0x82: {  	_ = 	snop  }
0x83: {  	[spmem:s3] =	stream.indirect.scatter.add.f32 [tilespmem:s28], [sflag:$0x7], $0x80, s19, s26, $0xb8;
	[tilespmem:$0x1B380] =	vst v63  }
0x84: {  	_ =	swait.ge [sflag:s6], $0x2800  }
0x85: {  	s17 =	sshrl.u32 s24, $0x3;
	[sflag:s6] =	ssyncset.done $0x0  }
0x86: {  	s17 =	sadd.s32 s5, s17;
	[sflag:s6] =	ssyncadd.s32 $0xFFFFD800  }
0x87: {  	[tilespmem:s4], [sflag:$0x1] =	stream.linear.gather [hbm4b:s17+s4], $0x50, $0x38;
	[tilespmem:$0x1B380] =	vst v63  }
0x88: {  	_ = 	snop  }
0x89: {  	[tilespmem:s19], [sflag:$0x1] =	stream.linear.gather [hbm4b:s14+s4], $0x50, $0x38;
	[tilespmem:$0x1B380] =	vst v63  }
0x8a: {  	_ =	swait.ge [sflag:s8], $0x2800  }
0x8b: {  	[sflag:s8] =	ssyncset.done $0x0  }
0x8c: {  	[sflag:s8] =	ssyncadd.s32 $0xFFFFD800  }
0x8d: {  	_ =	swait.ge [sflag:s25], $0x50  }
0x8e: {  	[sflag:s25] =	ssyncset.done $0x0  }
0x8f: {  	[sflag:s25] =	ssyncadd.s32 $0xFFFFFFB0  }
0x90: {  	_ =	swait.ge [sflag:s25], $0x50  }
0x91: {  	[sflag:s25] =	ssyncset.done $0x0  }
0x92: {  	[sflag:s25] =	ssyncadd.s32 $0xFFFFFFB0  }
0x93: {  	[tilespmem:s28], [sflag:$0x4] =	stream.indirect.gather [hbm4b:s1+s26], $0x80, s4, s26, $0xb8;
	[tilespmem:$0x1B380] =	vst v63  }
0x94: {  	_ = 	snop  }
0x95: {  	[spmem:s3] =	stream.indirect.scatter.add.f32 [tilespmem:s30], [sflag:$0x7], $0x80, s21, s26, $0xb8;
	[tilespmem:$0x1B380] =	vst v63  }
0x96: {  	_ =	swait.ge [sflag:s6], $0x2800  }
0x97: {  	[sflag:s6] =	ssyncset.done $0x0  }
0x98: {  	[sflag:s6] =	ssyncadd.s32 $0xFFFFD800  }
0x99: {  	[tilespmem:s20], [sflag:$0x2] =	stream.linear.gather [hbm4b:s7+s4], $0x50, $0x38;
	[tilespmem:$0x1B380] =	vst v63  }
0x9a: {  	_ = 	snop  }
0x9b: {  	[tilespmem:s21], [sflag:$0x2] =	stream.linear.gather [hbm4b:s15+s4], $0x50, $0x38;
	[tilespmem:$0x1B380] =	vst v63  }
0x9c: {  	_ =	swait.ge [sflag:s9], $0x2800  }
0x9d: {  	[sflag:s9] =	ssyncset.done $0x0  }
0x9e: {  	[sflag:s9] =	ssyncadd.s32 $0xFFFFD800  }
0x9f: {  	_ =	swait.ge [sflag:s29], $0x50  }
0xa0: {  	[sflag:s29] =	ssyncset.done $0x0  }
0xa1: {  	[sflag:s29] =	ssyncadd.s32 $0xFFFFFFB0  }
0xa2: {  	_ =	swait.ge [sflag:s29], $0x50  }
0xa3: {  	[sflag:s29] =	ssyncset.done $0x0  }
0xa4: {  	s16 =	smov.u32 s13;
	[sflag:s29] =	ssyncadd.s32 $0xFFFFFFB0  }
0xa5: {  	[tilespmem:s30], [sflag:$0x5] =	stream.indirect.gather [hbm4b:s1+s26], $0x80, s20, s26, $0xb8;
	[tilespmem:$0x1B380] =	vst v63  }
0xa6: {  	s16 =	smin.u32 s16, $0x77  }
0xa7: {  	[spmem:s3] =	stream.indirect.scatter.add.f32 [tilespmem:s0], [sflag:$0x7], $0x80, s23, s26, $0xb8;
	[tilespmem:$0x1B380] =	vst v63  }
0xa8: {  	s16 =	smul.u32 $0x50, s16;
	_ =	swait.ge [sflag:s6], $0x2800  }
0xa9: {  	p1 =	sne.s32 s13, $0x78;
	s17 =	rddreg [dreg:$0x5]  }
.Ltmp0:
0xaa: {  	s13 =	sadd.s32 $0x3, s13;
	s16 =	sadd.s32 s16, s17;
	(pc) =	sbr.rel @p1 .LBB2_2-.Ltmp0, $4  }
0xab: {  	s24 =	sadd.s32 $0xF0, s24;
	[sflag:s6] =	ssyncset.done $0x0;
	s16 =	sshrl.u32 s16, $0x3  }
0xac: {  	s14 =	sadd.s32 $0x1E, s14;
	[sflag:s6] =	ssyncadd.s32 $0xFFFFD800;
	s16 =	sadd.s32 s5, s16  }
0xad: {  	[tilespmem:s22], [sflag:$0x3] =	stream.linear.gather [hbm4b:s16+s4], $0x50, $0x38;
	[tilespmem:$0x1B380] =	vst v63  }
0xae: {  	s7 =	sadd.s32 $0x1E, s7;
	s15 =	sadd.s32 $0x1E, s15;
	s16 =	sadd.s32 $0x9C40, s16  }
0xaf: {  	[tilespmem:s23], [sflag:$0x3] =	stream.linear.gather [hbm4b:s16+s4], $0x50, $0x38;
	[tilespmem:$0x1B380] =	vst v63  }
0xb0: {  	_ =	swait.ge [sflag:s31], $0x2800  }
0xb1: {  	[sflag:s31] =	ssyncset.done $0x0  }
0xb2: {  	[sflag:s31] =	ssyncadd.s32 $0xFFFFD800  }
0xb3: {  	[spmem:s3] =	stream.indirect.scatter.add.f32 [tilespmem:s28], [sflag:$0x7], $0x80, s19, s26, $0xb8;
	[tilespmem:$0x1B380] =	vst v63  }
0xb4: {  	_ =	swait.ge [sflag:s6], $0x2800  }
0xb5: {  	[sflag:s6] =	ssyncset.done $0x0  }
0xb6: {  	[sflag:s6] =	ssyncadd.s32 $0xFFFFD800  }
0xb7: {  	_ =	swait.ge [sflag:s8], $0x2800  }
0xb8: {  	[sflag:s8] =	ssyncset.done $0x0  }
0xb9: {  	[sflag:s8] =	ssyncadd.s32 $0xFFFFD800  }
0xba: {  	[spmem:s3] =	stream.indirect.scatter.add.f32 [tilespmem:s30], [sflag:$0x7], $0x80, s21, s26, $0xb8;
	[tilespmem:$0x1B380] =	vst v63  }
0xbb: {  	_ =	swait.ge [sflag:s6], $0x2800  }
0xbc: {  	[sflag:s6] =	ssyncset.done $0x0  }
0xbd: {  	[sflag:s6] =	ssyncadd.s32 $0xFFFFD800  }
0xbe: {  	_ =	swait.ge [sflag:s2], $0x50  }
0xbf: {  	[sflag:s2] =	ssyncset.done $0x0  }
0xc0: {  	[sflag:s2] =	ssyncadd.s32 $0xFFFFFFB0  }
0xc1: {  	_ =	swait.ge [sflag:s2], $0x50  }
0xc2: {  	[sflag:s2] =	ssyncset.done $0x0  }
0xc3: {  	[sflag:s2] =	ssyncadd.s32 $0xFFFFFFB0  }
0xc4: {  	[bflag:$0x0] =	sbarrier.arrive $0xFFFF  }
0xc5: {  	s7 =	rddreg [dreg:$0x12]  }
0xc6: {  	[hbm:s7], [sflag:s11] =	dma.local @!p0 [spmem:s12], $0x3E80  }
0xc7: {  	s7 =	simm.s32 @!p0 $0x7  }
0xc8: {  	_ =	swait.ge @!p0 [sflag:s7], $0x3E80  }
0xc9: {  	s10 =	sadd.s32 $0x1, s10;
	s24 =	rddreg [dreg:$0xe]  }
0xca: {  	p1 =	sne.s32 s10, s24  }
.Ltmp1:
0xcb: {  	_ = 	snop;
	(pc) =	sbr.rel @p1 .LBB2_1-.Ltmp1, $3  }
0xcc: {  	_ =	sdelay $0x1  }
0xcd: {  	[sflag:s7] =	ssyncset.done @!p0 $0x0  }
0xce: {  	[sflag:s7] =	ssyncadd.s32 @!p0 $0xFFFFC180  }
0xcf: {  	_ =	sfence.sel $0x180000  }
0xd0: {  	[bflag:$0x0] =	sbarrier.arrive $0xFFFF  }
0xd1: {  	_ =	strace $0x90000047  }
0xd2: {  	s0 =	stileid.u32;
	[bflag:$0x2] =	sbarrier.arrive $0xFFFF  }
0xd3: {  	p0 =	sne.s32 s0, $0x0;
	s0 =	rddreg [dreg:$0x4]  }
0xd4: {  	s0 =	sadd.s32 @!p0 $0x100000, s0  }
0xd5: {  	[sflag:s0] =	ssyncadd.tile.s32 @!p0 $0x1;
	_ =	shalt  }
.Lfunc_end2:
_tile_overlayer_lowered:
.L_overlay_start_2:
0xd6: {  	(tag) =	ssettag $0x2  }
0xd7: {  	s0 =	rddreg [dreg:$0x0];
	s2 =	stileid.u32  }
0xd8: {  	s1 =	rddreg [dreg:$0x1];
	p0 =	sne.s32 s2, $0x0  }
0xd9: {  	s3 =	rddreg [dreg:$0x2];
	[bflag:$0x3] =	sbarrier.arrive $0xFFFF;
	s2 =	simm.s32 @!p0 $0x1C07  }
0xda: {  	[timem:s3], [sflag:s2] =	dma.local @!p0 [hbm:s0], s1  }
0xdb: {  	s0 =	simm.s32 @!p0 $0x7  }
0xdc: {  	_ =	swait.ge @!p0 [sflag:s0], s1  }
0xdd: {  	s1 =	ssub.s32 @!p0 $0x0, s1;
	[sflag:s0] =	ssyncset.done @!p0 $0x0  }
0xde: {  	[sflag:s0] =	ssyncadd.s32 @!p0 s1  }
0xdf: {  	[bflag:$0x3] =	sbarrier.arrive $0xFFFF  }
0xe0: {  	_ =	shalt  }

// kernel: kernel.9.cloned.1.call-start
scs
__scs_entry_jumppad:
0x0: {  	(pc) =	sbr.rel $0x88, $3  }
0x1: {  	(tag) =	ssettag $0x0;
	lr =	simm.s32 $0x1  }
0x2: {  	[smem:$0x3F92] =	sst lr;
	_ =	strace $0xD0000000  }
0x3: {  	_ = 	snop  }
0x4: {  	_ = 	snop  }
0x5: {  	_ = 	snop  }
0x6: {  	_ = 	snop  }
0x7: {  	_ = 	snop  }
__scs_overlays_trampoline_lowered:
0x8: {  	[smem:$0x3FA1] =	sst s0  }
0x9: {  	[smem:$0x3FA2] =	sst s1  }
0xa: {  	[smem:$0x3FA3] =	sst s2  }
0xb: {  	[smem:$0x3FA4] =	sst s3  }
0xc: {  	[smem:$0x3FA5] =	sst s4  }
0xd: {  	[smem:$0x3FA6] =	sst s5  }
0xe: {  	[smem:$0x3FA7] =	sst s6  }
0xf: {  	[smem:$0x3FA8] =	sst s7  }
0x10: {  	[smem:$0x3FA9] =	sst s8  }
0x11: {  	[smem:$0x3FAA] =	sst s9;
	s0 =	simm.s32 @!p0 $0x0  }
0x12: {  	s1 =	sld [smem:$0x3F90];
	s0 =	simm.s32 @p0 $0x1  }
0x13: {  	[smem:$0x3FAB] =	sst s0;
	s0 =	simm.s32 @!p1 $0x0  }
0x14: {  	s2 =	sld [smem:$0x3F8F];
	s0 =	simm.s32 @p1 $0x1  }
0x15: {  	[smem:$0x3FAC] =	sst s0;
	s0 =	simm.s32 @!p2 $0x0  }
0x16: {  	s3 =	sld [smem:$0x3FDB];
	s0 =	simm.s32 @p2 $0x1  }
0x17: {  	s4 =	simm.s32 $0x1BF5;
	[smem:$0x3FAE] =	sst s0  }
0x18: {  	s0 =	sld [smem:$0x3F91];
	_ =	swait.ge [sflag:s4], $0x0  }
0x19: {  	s7 =	sld [smem:$0x3F92]  }
0x1a: {  	s8 =	sadd.s32 $0xFFFFE003, lr  }
0x1b: {  	s9 =	sadd.s32 $0xFFFFFEF7, lr;
	s5 =	simm.s32 $0xFFFFFFFF;
	p2 =	slt.u32 s8, $0xFFFFF086  }
0x1c: {  	p1 =	slt.u32 s9, $0xF7A;
	s5 =	simm.s32 @!p2 $0x0  }
0x1d: {  	s5 =	simm.s32 @p1 $0x1;
	p0 =	seq.s32 s7, s2  }
0x1e: {  	s7 =	smul.u32 @!p0 $0xF7A, s2;
	p2 =	seq.s32 @!p0 s5, $0x0  }
0x1f: {  	s9 =	smul.u32 $0xF7A, s1;
	s8 =	simm.s32 @!p0 $0x1BF5;
	p2 =	por !p2, p0  }
0x20: {  	[sflag:s8] =	ssyncset.s32 @!p0 $0xFFFFF086;
	s6 =	sadd.s32 @!p0 s3, s7;
	s7 =	simm.s32 @!p0 $0x108  }
0x21: {  	s3 =	sadd.s32 s3, s9;
	s6 =	sadd.s32 @!p0 $0x88, s6;
	s7 =	simm.s32 @p2 $0x1082  }
0x22: {  	[simem:s7], [sflag:s8] =	dma.local @!p0 [hbm:s6], $0xF7A  }
0x23: {  	s9 =	sor.u32 $0xD0000000, s2;
	s6 =	simm.s32 $0x108;
	_ =	swait.ge @!p0 [sflag:s8], $0x0  }
0x24: {  	s3 =	sadd.s32 $0x88, s3;
	s6 =	simm.s32 @!p1 $0x1082;
	[sflag:s4] =	ssyncset.s32 $0xFFFFF086  }
0x25: {  	[simem:s6], [sflag:s4] =	dma.local [hbm:s3], $0xF7A  }
0x26: {  	[smem:$0x3F92] =	sst s1;
	(tag) =	ssettag s2;
	_ =	strace s9  }
0x27: {  	s1 =	sld [smem:$0x3FA2]  }
0x28: {  	s2 =	sld [smem:$0x3FA3]  }
0x29: {  	s4 =	sld [smem:$0x3FA5]  }
0x2a: {  	p0 =	seq.s32 s5, $0x0;
	s5 =	sld [smem:$0x3FA6]  }
0x2b: {  	s6 =	sld [smem:$0x3FA7]  }
0x2c: {  	s7 =	sld [smem:$0x3FA8]  }
0x2d: {  	s3 =	simm.s32 $0x108;
	s8 =	sld [smem:$0x3FA9]  }
0x2e: {  	s3 =	simm.s32 @!p0 $0x1082;
	s9 =	sld [smem:$0x3FAA]  }
0x2f: {  	lr =	sadd.s32 s0, s3;
	s0 =	sld [smem:$0x3FA1]  }
0x30: {  	s3 =	sld [smem:$0x3FA4]  }
0x31: {  	[smem:$0x3FAD] =	sst s10  }
0x32: {  	s10 =	sld [smem:$0x3FAB];
	_ =	sdelay $0x3  }
0x33: {  	p0 =	seq.s32 s10, $0x1;
	s10 =	sld [smem:$0x3FAD];
	_ =	sdelay $0x3  }
0x34: {  	[smem:$0x3FAD] =	sst s10  }
0x35: {  	s10 =	sld [smem:$0x3FAC];
	_ =	sdelay $0x3  }
0x36: {  	p1 =	seq.s32 s10, $0x1;
	s10 =	sld [smem:$0x3FAD];
	_ =	sdelay $0x3  }
0x37: {  	[smem:$0x3FAD] =	sst s10  }
0x38: {  	s10 =	sld [smem:$0x3FAE]  }
0x39: {  	_ = 	snop;
	(pc) =	sbr.ind lr, $3  }
0x3a: {  	_ = 	snop  }
0x3b: {  	_ = 	snop  }
0x3c: {  	p2 =	seq.s32 s10, $0x1;
	s10 =	sld [smem:$0x3FAD]  }
0x3d: {  	_ =	shalt  }
0x3e: {  	_ =	shalt  }
0x3f: {  	_ =	shalt  }
0x40: {  	_ =	shalt  }
0x41: {  	_ =	shalt  }
0x42: {  	_ =	shalt  }
0x43: {  	_ =	shalt  }
0x44: {  	_ =	shalt  }
0x45: {  	_ =	shalt  }
0x46: {  	_ =	shalt  }
0x47: {  	_ =	shalt  }
0x48: {  	_ =	shalt  }
0x49: {  	_ =	shalt  }
0x4a: {  	_ =	shalt  }
0x4b: {  	_ =	shalt  }
0x4c: {  	_ =	shalt  }
0x4d: {  	_ =	shalt  }
0x4e: {  	_ =	shalt  }
0x4f: {  	_ =	shalt  }
0x50: {  	_ =	shalt  }
0x51: {  	_ =	shalt  }
0x52: {  	_ =	shalt  }
0x53: {  	_ =	shalt  }
0x54: {  	_ =	shalt  }
0x55: {  	_ =	shalt  }
0x56: {  	_ =	shalt  }
0x57: {  	_ =	shalt  }
0x58: {  	_ =	shalt  }
0x59: {  	_ =	shalt  }
0x5a: {  	_ =	shalt  }
0x5b: {  	_ =	shalt  }
0x5c: {  	_ =	shalt  }
0x5d: {  	_ =	shalt  }
0x5e: {  	_ =	shalt  }
0x5f: {  	_ =	shalt  }
0x60: {  	_ =	shalt  }
0x61: {  	_ =	shalt  }
0x62: {  	_ =	shalt  }
0x63: {  	_ =	shalt  }
0x64: {  	_ =	shalt  }
0x65: {  	_ =	shalt  }
0x66: {  	_ =	shalt  }
0x67: {  	_ =	shalt  }
0x68: {  	_ =	shalt  }
0x69: {  	_ =	shalt  }
0x6a: {  	_ =	shalt  }
0x6b: {  	_ =	shalt  }
0x6c: {  	_ =	shalt  }
0x6d: {  	_ =	shalt  }
0x6e: {  	_ =	shalt  }
0x6f: {  	_ =	shalt  }
0x70: {  	_ =	shalt  }
0x71: {  	_ =	shalt  }
0x72: {  	_ =	shalt  }
0x73: {  	_ =	shalt  }
0x74: {  	_ =	shalt  }
0x75: {  	_ =	shalt  }
0x76: {  	_ =	shalt  }
0x77: {  	_ =	shalt  }
0x78: {  	_ =	shalt  }
0x79: {  	_ =	shalt  }
0x7a: {  	_ =	shalt  }
0x7b: {  	_ =	shalt  }
0x7c: {  	_ =	shalt  }
0x7d: {  	_ =	shalt  }
0x7e: {  	_ =	shalt  }
0x7f: {  	_ =	shalt  }
0x80: {  	_ =	shalt  }
0x81: {  	_ =	shalt  }
0x82: {  	_ =	shalt  }
0x83: {  	_ =	shalt  }
0x84: {  	_ =	shalt  }
0x85: {  	_ =	shalt  }
0x86: {  	_ =	shalt  }
0x87: {  	_ =	shalt  }
.Lfunc_end0:
.L_simem_size_0:
called_computation.1_lowered:
.L_overlay_start_0:
0x88: {  	s2 =	sld [smem:$0x3FD9]  }
0x89: {  	s3 =	sld [smem:$0x3FFE];
	_ =	sdelay $0x1  }
0x8a: {  	s1 =	srdreg.scid  }
0x8b: {  	s0 =	sand.u32 $0x1, s1  }
0x8c: {  	s14 =	sshll.u32 s0, $0xA;
	s2 =	sadd.s32 s3, s2  }
0x8d: {  	s2 =	sadd.s32 s2, s14  }
0x8e: {  	[smem:$0x3FB9] =	sst s2  }
0x8f: {  	_ = 	snop  }
0x90: {  	s2 =	sld [smem:$0x3FD0];
	_ =	sdelay $0x2  }
0x91: {  	s15 =	simm.s32 $0xA;
	s4 =	simm.s32 $0x10  }
0x92: {  	[smem:s4], [sflag:s15] =	dma.local [hbm:s2], $0x1  }
0x93: {  	_ =	swait.eq [sflag:s15], $0x1  }
0x94: {  	[sflag:s15] =	ssyncset.done $0x0  }
0x95: {  	[sflag:s15] =	ssyncadd.s32 $0xFFFFFFFF  }
0x96: {  	s16 =	sld [smem:$0x10];
	(tm) =	ssettm $0x1  }
0x97: {  	s17 =	sld [smem:$0x3FFB];
	_ =	sdelay $0x3  }
0x98: {  	_ =	strace s17  }
0x99: {  	s3 =	sld [smem:$0x3FFC];
	_ =	sdelay $0x3  }
0x9a: {  	_ =	strace s3  }
0x9b: {  	s3 =	sld [smem:$0x3FFD];
	_ =	sdelay $0x3  }
0x9c: {  	_ =	strace s3  }
0x9d: {  	_ =	strace $0x8FFFFFFF  }
0x9e: {  	s18 =	sld [smem:$0x3FDB];
	_ =	sdelay $0x1  }
0x9f: {  	s19 =	simm.s32 $_scs_section_size  }
0xa0: {  	s5 =	simm.s32 $_size__tile_overlayer_lowered;
	s6 =	simm.s32 $_tile_overlayer_lowered  }
0xa1: {  	s22 =	simm.s32 $0x1BFF;
	s21 =	sshll.u32 s6, $0x1;
	s3 =	sadd.s32 s19, s18  }
0xa2: {  	s7 =	simm.s32 $0x0;
	s20 =	sshll.u32 s5, $0x1;
	s5 =	sadd.s32 s21, s3  }
0xa3: {  	[timem:s7], [sflag:s22] =	dma.local [hbm:s5], s20  }
0xa4: {  	_ =	swait.ge [sflag:s22], s20  }
0xa5: {  	s4 =	ssub.s32 $0x0, s20;
	[sflag:s22] =	ssyncset.done $0x0  }
0xa6: {  	[sflag:s22] =	ssyncadd.s32 s4;
	_ =	sdelay $0x1  }
0xa7: {  	s23 =	simm.s32 $0x1B8B  }
0xa8: {  	_ =	swait.ge [sflag:s23], $0x1  }
0xa9: {  	[sflag:s23] =	ssyncset.done $0x0  }
0xaa: {  	s25 =	simm.s32 $0x1B8E;
	s24 =	sld [smem:$0x3FFE];
	[sflag:s23] =	ssyncadd.s32 $0xFFFFFFFF  }
0xab: {  	s26 =	simm.s32 $execute0_lowered;
	[smem:$0x3FD2] =	sst s25  }
0xac: {  	s5 =	sshll.u32 s26, $0x1;
	_ =	strace $0x80000049;
	[dreg:$0x1] =	wrdreg $0xFFFFFFFF  }
0xad: {  	s28 =	simm.s32 $_size_execute0_lowered;
	s3 =	sadd.s32 s3, s5;
	[dreg:$0x0] =	wrdreg $0x0  }
0xae: {  	s5 =	sshll.u32 s28, $0x1;
	[dreg:$0x2] =	wrdreg s3  }
0xaf: {  	[dreg:$0x3] =	wrdreg s5  }
0xb0: {  	[dreg:$0x4] =	wrdreg $0xC0  }
0xb1: {  	_ =	task [dreg:s7], $0x5FFFF  }
0xb2: {  	[dreg:$0x1] =	wrdreg $0xFFFFFFFF  }
0xb3: {  	[dreg:$0x0] =	wrdreg $0x60  }
0xb4: {  	[dreg:$0x2] =	wrdreg s24  }
0xb5: {  	[dreg:$0x3] =	wrdreg s16  }
0xb6: {  	[dreg:$0x4] =	wrdreg $0x7B000  }
0xb7: {  	[dreg:$0x5] =	wrdreg $0x9  }
0xb8: {  	_ =	task.clear_ibuf [dreg:s7], $0x6FFFF;
	_ =	strace $0x90000049  }
0xb9: {  	s29 =	simm.s32 $0x9;
	_ =	strace $0x8000004B  }
0xba: {  	_ =	swait.ge [sflag:s29], $0x1  }
0xbb: {  	[sflag:s29] =	ssyncadd.s32 $0xFFFFFFFF  }
0xbc: {  	_ =	strace $0x9000004B  }
0xbd: {  	_ =	sfence  }
0xbe: {  	s30 =	sld [smem:$0x0];
	_ =	sdelay $0x2  }
0xbf: {  	s31 =	sshll.u32 s1, $0xD;
	s1 =	sshrl.u32 s1, $0x2  }
0xc0: {  	s3 =	sand.u32 $0x4000, s31;
	s1 =	sadd.s32 s1, s30  }
0xc1: {  	s0 =	sor.u32 s3, s0;
	s1 =	sshll.u32 s1, $0x11  }
0xc2: {  	s0 =	sor.u32 s1, s0  }
0xc3: {  	s0 =	sadd.s32 $0x8F2B, s0  }
0xc4: {  	[sflag:s0] =	ssyncadd.remote.s32 $0x1  }
0xc5: {  	_ =	sfence.sel $0xFFFF  }
0xc6: {  	[dreg:$0x0] =	wrdreg $0xFFFFFFFF;
	(pc) =	sbr.abs _section_cstart, $3  }
0xc7: {  	[dreg:$0x1] =	wrdreg $0xFFFFFFFF  }
0xc8: {  	_ =	task.clear_ibuf [dreg:s7], $0x2FFFF;
	_ =	strace $0x9FFFFFFF  }
0xc9: {  	(tm) =	ssettm $0x7FFFFFFF  }
tec
execute0_lowered:
.L_overlay_start_1:
0x0: {  	(tag) =	ssettag $0x1  }
0x1: {  	s0 =	rddreg [dreg:$0x0]  }
0x2: {  	s1 =	rddreg [dreg:$0x1]  }
0x3: {  	s2 =	rddreg [dreg:$0x2];
	s4 =	srdreg.scid  }
0x4: {  	s11 =	stileid.u32;
	s3 =	simm.s32 $0x0;
	s28 =	simm.s32 $0x300  }
0x5: {  	s29 =	simm.s32 $0x2;
	s30 =	simm.s32 $0x2B00;
	s17 =	smul.u32 $0x7D000, s11  }
0x6: {  	s31 =	simm.s32 $0x4;
	s6 =	sand.u32 $0x1, s4;
	s21 =	smul.u32 $0x4E20, s11  }
0x7: {  	s15 =	sshll.u32 s11, $0x1;
	[smem:$0x7FF] =	sst s3;
	s19 =	smul.u32 $0x27100, s6  }
0x8: {  	s4 =	sor.u32 s6, s15;
	s8 =	ssub.s32 $0x2, s6;
	s6 =	smul.u32 $0x2710, s6  }
0x9: {  	s5 =	sadd.s32 $0x3200, s0;
	p0 =	sgt.u32 s11, $0x9;
	s7 =	smul.u32 $0x2710, s4  }
0xa: {  	s4 =	sadd.s32 $0x1AC00, s0;
	s0 =	sadd.s32 $0x16C00, s0;
	s16 =	sshrl.u32 s8, $0x1  }
0xb: {  	_ =	strace $0x8000004A;
	[dreg:$0x5] =	wrdreg s0;
	s0 =	ssub.s32 s8, s16  }
0xc: {  	s8 =	sshrl.u32 s17, $0x2;
	s1 =	sadd.s32 s1, s19;
	s6 =	sadd.s32 s6, s21  }
0xd: {  	s19 =	simm.s32 $0x180;
	s9 =	sshrl.u32 s7, $0x3;
	s8 =	sadd.s32 s8, s2  }
0xe: {  	s7 =	sadd.s32 $0x190, s7;
	s0 =	smax.u32 s0, $0x1;
	[dreg:$0xc] =	wrdreg s8  }
0xf: {  	s22 =	sadd.s32 $0x140, s6;
	s23 =	sadd.s32 $0x4E340, s6;
	[dreg:$0x4] =	wrdreg s7  }
0x10: {  	s24 =	sadd.s32 $0x4E2F0, s6;
	s6 =	sadd.s32 $0xF0, s6;
	[dreg:$0xd] =	wrdreg s0  }
0x11: {  	s21 =	simm.s32 $0x200;
	s12 =	sadd.s32 s5, s9;
	[dreg:$0x10] =	wrdreg s6  }
0x12: {  	s7 =	smul.u32 $0x3E80, s11;
	s9 =	sadd.s32 $0x9C40, s12;
	[dreg:$0x6] =	wrdreg s12  }
0x13: {  	s0 =	sshrl.u32 s22, $0x3;
	s18 =	sadd.s32 $0xA, s12;
	[dreg:$0x7] =	wrdreg s9  }
0x14: {  	s8 =	sshrl.u32 s23, $0x3;
	s10 =	sadd.s32 $0x9C4A, s12;
	[dreg:$0x8] =	wrdreg s18  }
0x15: {  	s26 =	sshrl.u32 s24, $0x3;
	s20 =	sadd.s32 $0x14, s12;
	[dreg:$0x9] =	wrdreg s10  }
0x16: {  	s22 =	simm.s32 $0x100;
	s12 =	sadd.s32 $0x9C54, s12;
	[dreg:$0xa] =	wrdreg s20  }
0x17: {  	s23 =	simm.s32 $0x280;
	s0 =	sadd.s32 s0, s5;
	[dreg:$0xb] =	wrdreg s12  }
0x18: {  	s6 =	simm.s32 $0x7;
	s25 =	sadd.s32 s8, s5;
	[dreg:$0xe] =	wrdreg s0  }
0x19: {  	s8 =	simm.s32 $0x5;
	[dreg:$0xf] =	wrdreg s25;
	s18 =	sadd.s32 s26, s5  }
0x1a: {  	s20 =	simm.s32 $0x80;
	s0 =	sadd.s32 @!p0 s7, s1;
	s25 =	simm.s32 $0x1  }
0x1b: {  	s26 =	simm.s32 $0x50;
	s1 =	simm.s32 $0x5300;
	s9 =	simm.s32 $0x6  }
0x1c: {  	s10 =	simm.s32 $0x0;
	[dreg:$0x11] =	wrdreg s0;
	s0 =	simm.s32 $0x3  }
.LBB2_1:
0x1d: {  	s7 =	rddreg [dreg:$0x6]  }
0x1e: {  	s12 =	rddreg [dreg:$0x7]  }
0x1f: {  	s13 =	rddreg [dreg:$0x8]  }
0x20: {  	[tilespmem:s3], [sflag:$0x1] =	stream.linear.gather [hbm4b:s7+s3], $0x50, $0x38;
	[tilespmem:$0x1B380] =	vst v63  }
0x21: {  	s14 =	rddreg [dreg:$0x9]  }
0x22: {  	[tilespmem:s19], [sflag:$0x1] =	stream.linear.gather [hbm4b:s12+s3], $0x50, $0x38;
	[tilespmem:$0x1B380] =	vst v63  }
0x23: {  	s15 =	rddreg [dreg:$0xa];
	s7 =	stileid.u32  }
0x24: {  	[tilespmem:s20], [sflag:$0x2] =	stream.linear.gather [hbm4b:s13+s3], $0x50, $0x38;
	[tilespmem:$0x1B380] =	vst v63  }
0x25: {  	s16 =	rddreg [dreg:$0xb];
	s7 =	sshll.u32 @!p0 s7, $0x6  }
0x26: {  	[tilespmem:s21], [sflag:$0x2] =	stream.linear.gather [hbm4b:s14+s3], $0x50, $0x38;
	[tilespmem:$0x1B380] =	vst v63  }
0x27: {  	s11 =	sor.u32 @!p0 $0x1C07, s7;
	s7 =	rddreg [dreg:$0xc]  }
0x28: {  	[tilespmem:s22], [sflag:$0x3] =	stream.linear.gather [hbm4b:s15+s3], $0x50, $0x38;
	[tilespmem:$0x1B380] =	vst v63  }
0x29: {  	s12 =	sshrl.u32 @!p0 s7, $0x3;
	s7 =	rddreg [dreg:$0x5]  }
0x2a: {  	[tilespmem:s23], [sflag:$0x3] =	stream.linear.gather [hbm4b:s16+s3], $0x50, $0x38;
	[tilespmem:$0x1B380] =	vst v63  }
0x2b: {  	[spmem:s12], [sflag:s11] =	dma.local @!p0 [hbm:s7], $0x3E80  }
0x2c: {  	s7 =	simm.s32 @!p0 $0x7  }
0x2d: {  	_ =	swait.ge @!p0 [sflag:s7], $0x3E80  }
0x2e: {  	[sflag:s7] =	ssyncset.done @!p0 $0x0  }
0x2f: {  	[sflag:s7] =	ssyncadd.s32 @!p0 $0xFFFFC180  }
0x30: {  	_ =	swait.ge [sflag:s25], $0x50  }
0x31: {  	[sflag:s25] =	ssyncset.done $0x0  }
0x32: {  	[sflag:s25] =	ssyncadd.s32 $0xFFFFFFB0  }
0x33: {  	_ =	swait.ge [sflag:s25], $0x50  }
0x34: {  	[sflag:s25] =	ssyncset.done $0x0  }
0x35: {  	[sflag:s25] =	ssyncadd.s32 $0xFFFFFFB0  }
0x36: {  	[tilespmem:s28], [sflag:$0x4] =	stream.indirect.gather [hbm4b:s4+s26], $0x80, s3, s26, $0xb8;
	[tilespmem:$0x1B380] =	vst v63  }
0x37: {  	_ =	swait.ge [sflag:s29], $0x50  }
0x38: {  	[sflag:s29] =	ssyncset.done $0x0  }
0x39: {  	[sflag:s29] =	ssyncadd.s32 $0xFFFFFFB0  }
0x3a: {  	_ =	swait.ge [sflag:s29], $0x50  }
0x3b: {  	[sflag:s29] =	ssyncset.done $0x0  }
0x3c: {  	[sflag:s29] =	ssyncadd.s32 $0xFFFFFFB0  }
0x3d: {  	[tilespmem:s30], [sflag:$0x5] =	stream.indirect.gather [hbm4b:s4+s26], $0x80, s20, s26, $0xb8;
	[tilespmem:$0x1B380] =	vst v63  }
0x3e: {  	[bflag:$0x0] =	sbarrier.arrive $0xFFFF  }
0x3f: {  	_ =	swait.ge [sflag:s31], $0x2800  }
0x40: {  	[sflag:s31] =	ssyncset.done $0x0  }
0x41: {  	[sflag:s31] =	ssyncadd.s32 $0xFFFFD800  }
0x42: {  	_ =	swait.ge [sflag:s0], $0x50  }
0x43: {  	[sflag:s0] =	ssyncset.done $0x0  }
0x44: {  	[sflag:s0] =	ssyncadd.s32 $0xFFFFFFB0  }
0x45: {  	_ =	swait.ge [sflag:s0], $0x50  }
0x46: {  	[sflag:s0] =	ssyncset.done $0x0  }
0x47: {  	[sflag:s0] =	ssyncadd.s32 $0xFFFFFFB0  }
0x48: {  	[tilespmem:s1], [sflag:$0x6] =	stream.indirect.gather [hbm4b:s4+s26], $0x80, s22, s26, $0xb8;
	[tilespmem:$0x1B380] =	vst v63  }
0x49: {  	_ = 	snop  }
0x4a: {  	[spmem:s2] =	stream.indirect.scatter.add.f32 [tilespmem:s28], [sflag:$0x7], $0x80, s19, s26, $0xb8;
	[tilespmem:$0x1B380] =	vst v63  }
0x4b: {  	_ =	swait.ge [sflag:s6], $0x2800  }
0x4c: {  	s16 =	rddreg [dreg:$0x10]  }
0x4d: {  	[sflag:s6] =	ssyncset.done $0x0;
	s17 =	sshrl.u32 s16, $0x3  }
0x4e: {  	[sflag:s6] =	ssyncadd.s32 $0xFFFFD800;
	s7 =	sadd.s32 s5, s17  }
0x4f: {  	[tilespmem:s3], [sflag:$0x1] =	stream.linear.gather [hbm4b:s7+s3], $0x50, $0x38;
	[tilespmem:$0x1B380] =	vst v63  }
0x50: {  	_ = 	snop  }
0x51: {  	[tilespmem:s19], [sflag:$0x1] =	stream.linear.gather [hbm4b:s18+s3], $0x50, $0x38;
	[tilespmem:$0x1B380] =	vst v63  }
0x52: {  	_ =	swait.ge [sflag:s8], $0x2800  }
0x53: {  	[sflag:s8] =	ssyncset.done $0x0  }
0x54: {  	[sflag:s8] =	ssyncadd.s32 $0xFFFFD800  }
0x55: {  	_ =	swait.ge [sflag:s25], $0x50  }
0x56: {  	[sflag:s25] =	ssyncset.done $0x0  }
0x57: {  	[sflag:s25] =	ssyncadd.s32 $0xFFFFFFB0  }
0x58: {  	_ =	swait.ge [sflag:s25], $0x50  }
0x59: {  	[sflag:s25] =	ssyncset.done $0x0  }
0x5a: {  	[sflag:s25] =	ssyncadd.s32 $0xFFFFFFB0  }
0x5b: {  	[tilespmem:s28], [sflag:$0x4] =	stream.indirect.gather [hbm4b:s4+s26], $0x80, s3, s26, $0xb8;
	[tilespmem:$0x1B380] =	vst v63  }
0x5c: {  	_ = 	snop  }
0x5d: {  	[spmem:s2] =	stream.indirect.scatter.add.f32 [tilespmem:s30], [sflag:$0x7], $0x80, s21, s26, $0xb8;
	[tilespmem:$0x1B380] =	vst v63  }
0x5e: {  	_ =	swait.ge [sflag:s6], $0x2800  }
0x5f: {  	[sflag:s6] =	ssyncset.done $0x0  }
0x60: {  	s15 =	rddreg [dreg:$0xe];
	[sflag:s6] =	ssyncadd.s32 $0xFFFFD800  }
0x61: {  	[tilespmem:s20], [sflag:$0x2] =	stream.linear.gather [hbm4b:s15+s3], $0x50, $0x38;
	[tilespmem:$0x1B380] =	vst v63  }
0x62: {  	s17 =	rddreg [dreg:$0xf]  }
0x63: {  	[tilespmem:s21], [sflag:$0x2] =	stream.linear.gather [hbm4b:s17+s3], $0x50, $0x38;
	[tilespmem:$0x1B380] =	vst v63  }
0x64: {  	_ =	swait.ge [sflag:s9], $0x2800  }
0x65: {  	[sflag:s9] =	ssyncset.done $0x0  }
0x66: {  	[sflag:s9] =	ssyncadd.s32 $0xFFFFD800  }
0x67: {  	_ =	swait.ge [sflag:s29], $0x50  }
0x68: {  	[sflag:s29] =	ssyncset.done $0x0  }
0x69: {  	[sflag:s29] =	ssyncadd.s32 $0xFFFFFFB0  }
0x6a: {  	_ =	swait.ge [sflag:s29], $0x50  }
0x6b: {  	[sflag:s29] =	ssyncset.done $0x0  }
0x6c: {  	[sflag:s29] =	ssyncadd.s32 $0xFFFFFFB0  }
0x6d: {  	[tilespmem:s30], [sflag:$0x5] =	stream.indirect.gather [hbm4b:s4+s26], $0x80, s20, s26, $0xb8;
	[tilespmem:$0x1B380] =	vst v63  }
0x6e: {  	s24 =	smin.u32 s3, $0x77  }
0x6f: {  	[spmem:s2] =	stream.indirect.scatter.add.f32 [tilespmem:s1], [sflag:$0x7], $0x80, s23, s26, $0xb8;
	[tilespmem:$0x1B380] =	vst v63  }
0x70: {  	s7 =	smul.u32 $0x50, s24;
	_ =	swait.ge [sflag:s6], $0x2800  }
0x71: {  	s13 =	rddreg [dreg:$0x4]  }
0x72: {  	s14 =	sadd.s32 $0x1E, s18;
	s7 =	sadd.s32 s7, s13  }
0x73: {  	s24 =	sadd.s32 $0xF0, s16;
	[sflag:s6] =	ssyncset.done $0x0;
	s7 =	sshrl.u32 s7, $0x3  }
0x74: {  	[sflag:s6] =	ssyncadd.s32 $0xFFFFD800;
	s13 =	simm.s32 $0x3;
	s7 =	sadd.s32 s5, s7  }
0x75: {  	[tilespmem:s22], [sflag:$0x3] =	stream.linear.gather [hbm4b:s7+s3], $0x50, $0x38;
	[tilespmem:$0x1B380] =	vst v63  }
0x76: {  	s16 =	sadd.s32 $0x9C40, s7;
	s7 =	sadd.s32 $0x1E, s15;
	s15 =	sadd.s32 $0x1E, s17  }
.LBB2_2:
0x77: {  	[tilespmem:s23], [sflag:$0x3] =	stream.linear.gather [hbm4b:s16+s3], $0x50, $0x38;
	[tilespmem:$0x1B380] =	vst v63  }
0x78: {  	_ =	swait.ge [sflag:s31], $0x2800  }
0x79: {  	[sflag:s31] =	ssyncset.done $0x0  }
0x7a: {  	[sflag:s31] =	ssyncadd.s32 $0xFFFFD800  }
0x7b: {  	_ =	swait.ge [sflag:s0], $0x50  }
0x7c: {  	[sflag:s0] =	ssyncset.done $0x0  }
0x7d: {  	[sflag:s0] =	ssyncadd.s32 $0xFFFFFFB0  }
0x7e: {  	_ =	swait.ge [sflag:s0], $0x50  }
0x7f: {  	[sflag:s0] =	ssyncset.done $0x0  }
0x80: {  	[sflag:s0] =	ssyncadd.s32 $0xFFFFFFB0  }
0x81: {  	[tilespmem:s1], [sflag:$0x6] =	stream.indirect.gather [hbm4b:s4+s26], $0x80, s22, s26, $0xb8;
	[tilespmem:$0x1B380] =	vst v63  }
0x82: {  	_ = 	snop  }
0x83: {  	[spmem:s2] =	stream.indirect.scatter.add.f32 [tilespmem:s28], [sflag:$0x7], $0x80, s19, s26, $0xb8;
	[tilespmem:$0x1B380] =	vst v63  }
0x84: {  	_ =	swait.ge [sflag:s6], $0x2800  }
0x85: {  	s17 =	sshrl.u32 s24, $0x3;
	[sflag:s6] =	ssyncset.done $0x0  }
0x86: {  	s17 =	sadd.s32 s5, s17;
	[sflag:s6] =	ssyncadd.s32 $0xFFFFD800  }
0x87: {  	[tilespmem:s3], [sflag:$0x1] =	stream.linear.gather [hbm4b:s17+s3], $0x50, $0x38;
	[tilespmem:$0x1B380] =	vst v63  }
0x88: {  	_ = 	snop  }
0x89: {  	[tilespmem:s19], [sflag:$0x1] =	stream.linear.gather [hbm4b:s14+s3], $0x50, $0x38;
	[tilespmem:$0x1B380] =	vst v63  }
0x8a: {  	_ =	swait.ge [sflag:s8], $0x2800  }
0x8b: {  	[sflag:s8] =	ssyncset.done $0x0  }
0x8c: {  	[sflag:s8] =	ssyncadd.s32 $0xFFFFD800  }
0x8d: {  	_ =	swait.ge [sflag:s25], $0x50  }
0x8e: {  	[sflag:s25] =	ssyncset.done $0x0  }
0x8f: {  	[sflag:s25] =	ssyncadd.s32 $0xFFFFFFB0  }
0x90: {  	_ =	swait.ge [sflag:s25], $0x50  }
0x91: {  	[sflag:s25] =	ssyncset.done $0x0  }
0x92: {  	[sflag:s25] =	ssyncadd.s32 $0xFFFFFFB0  }
0x93: {  	[tilespmem:s28], [sflag:$0x4] =	stream.indirect.gather [hbm4b:s4+s26], $0x80, s3, s26, $0xb8;
	[tilespmem:$0x1B380] =	vst v63  }
0x94: {  	_ = 	snop  }
0x95: {  	[spmem:s2] =	stream.indirect.scatter.add.f32 [tilespmem:s30], [sflag:$0x7], $0x80, s21, s26, $0xb8;
	[tilespmem:$0x1B380] =	vst v63  }
0x96: {  	_ =	swait.ge [sflag:s6], $0x2800  }
0x97: {  	[sflag:s6] =	ssyncset.done $0x0  }
0x98: {  	[sflag:s6] =	ssyncadd.s32 $0xFFFFD800  }
0x99: {  	[tilespmem:s20], [sflag:$0x2] =	stream.linear.gather [hbm4b:s7+s3], $0x50, $0x38;
	[tilespmem:$0x1B380] =	vst v63  }
0x9a: {  	_ = 	snop  }
0x9b: {  	[tilespmem:s21], [sflag:$0x2] =	stream.linear.gather [hbm4b:s15+s3], $0x50, $0x38;
	[tilespmem:$0x1B380] =	vst v63  }
0x9c: {  	_ =	swait.ge [sflag:s9], $0x2800  }
0x9d: {  	[sflag:s9] =	ssyncset.done $0x0  }
0x9e: {  	[sflag:s9] =	ssyncadd.s32 $0xFFFFD800  }
0x9f: {  	_ =	swait.ge [sflag:s29], $0x50  }
0xa0: {  	[sflag:s29] =	ssyncset.done $0x0  }
0xa1: {  	[sflag:s29] =	ssyncadd.s32 $0xFFFFFFB0  }
0xa2: {  	_ =	swait.ge [sflag:s29], $0x50  }
0xa3: {  	[sflag:s29] =	ssyncset.done $0x0  }
0xa4: {  	s16 =	smov.u32 s13;
	[sflag:s29] =	ssyncadd.s32 $0xFFFFFFB0  }
0xa5: {  	[tilespmem:s30], [sflag:$0x5] =	stream.indirect.gather [hbm4b:s4+s26], $0x80, s20, s26, $0xb8;
	[tilespmem:$0x1B380] =	vst v63  }
0xa6: {  	s16 =	smin.u32 s16, $0x77  }
0xa7: {  	[spmem:s2] =	stream.indirect.scatter.add.f32 [tilespmem:s1], [sflag:$0x7], $0x80, s23, s26, $0xb8;
	[tilespmem:$0x1B380] =	vst v63  }
0xa8: {  	s16 =	smul.u32 $0x50, s16;
	_ =	swait.ge [sflag:s6], $0x2800  }
0xa9: {  	p1 =	sne.s32 s13, $0x78;
	s17 =	rddreg [dreg:$0x4]  }
.Ltmp0:
0xaa: {  	s13 =	sadd.s32 $0x3, s13;
	s16 =	sadd.s32 s16, s17;
	(pc) =	sbr.rel @p1 .LBB2_2-.Ltmp0, $4  }
0xab: {  	s24 =	sadd.s32 $0xF0, s24;
	[sflag:s6] =	ssyncset.done $0x0;
	s16 =	sshrl.u32 s16, $0x3  }
0xac: {  	s14 =	sadd.s32 $0x1E, s14;
	[sflag:s6] =	ssyncadd.s32 $0xFFFFD800;
	s16 =	sadd.s32 s5, s16  }
0xad: {  	[tilespmem:s22], [sflag:$0x3] =	stream.linear.gather [hbm4b:s16+s3], $0x50, $0x38;
	[tilespmem:$0x1B380] =	vst v63  }
0xae: {  	s7 =	sadd.s32 $0x1E, s7;
	s15 =	sadd.s32 $0x1E, s15;
	s16 =	sadd.s32 $0x9C40, s16  }
0xaf: {  	[tilespmem:s23], [sflag:$0x3] =	stream.linear.gather [hbm4b:s16+s3], $0x50, $0x38;
	[tilespmem:$0x1B380] =	vst v63  }
0xb0: {  	_ =	swait.ge [sflag:s31], $0x2800  }
0xb1: {  	[sflag:s31] =	ssyncset.done $0x0  }
0xb2: {  	[sflag:s31] =	ssyncadd.s32 $0xFFFFD800  }
0xb3: {  	[spmem:s2] =	stream.indirect.scatter.add.f32 [tilespmem:s28], [sflag:$0x7], $0x80, s19, s26, $0xb8;
	[tilespmem:$0x1B380] =	vst v63  }
0xb4: {  	_ =	swait.ge [sflag:s6], $0x2800  }
0xb5: {  	[sflag:s6] =	ssyncset.done $0x0  }
0xb6: {  	[sflag:s6] =	ssyncadd.s32 $0xFFFFD800  }
0xb7: {  	_ =	swait.ge [sflag:s8], $0x2800  }
0xb8: {  	[sflag:s8] =	ssyncset.done $0x0  }
0xb9: {  	[sflag:s8] =	ssyncadd.s32 $0xFFFFD800  }
0xba: {  	[spmem:s2] =	stream.indirect.scatter.add.f32 [tilespmem:s30], [sflag:$0x7], $0x80, s21, s26, $0xb8;
	[tilespmem:$0x1B380] =	vst v63  }
0xbb: {  	_ =	swait.ge [sflag:s6], $0x2800  }
0xbc: {  	[sflag:s6] =	ssyncset.done $0x0  }
0xbd: {  	[sflag:s6] =	ssyncadd.s32 $0xFFFFD800  }
0xbe: {  	_ =	swait.ge [sflag:s0], $0x50  }
0xbf: {  	[sflag:s0] =	ssyncset.done $0x0  }
0xc0: {  	[sflag:s0] =	ssyncadd.s32 $0xFFFFFFB0  }
0xc1: {  	_ =	swait.ge [sflag:s0], $0x50  }
0xc2: {  	[sflag:s0] =	ssyncset.done $0x0  }
0xc3: {  	[sflag:s0] =	ssyncadd.s32 $0xFFFFFFB0  }
0xc4: {  	[bflag:$0x0] =	sbarrier.arrive $0xFFFF  }
0xc5: {  	s7 =	rddreg [dreg:$0x11]  }
0xc6: {  	[hbm:s7], [sflag:s11] =	dma.local @!p0 [spmem:s12], $0x3E80  }
0xc7: {  	s7 =	simm.s32 @!p0 $0x7  }
0xc8: {  	_ =	swait.ge @!p0 [sflag:s7], $0x3E80  }
0xc9: {  	s10 =	sadd.s32 $0x1, s10;
	s24 =	rddreg [dreg:$0xd]  }
0xca: {  	p1 =	sne.s32 s10, s24  }
.Ltmp1:
0xcb: {  	_ = 	snop;
	(pc) =	sbr.rel @p1 .LBB2_1-.Ltmp1, $3  }
0xcc: {  	_ =	sdelay $0x1  }
0xcd: {  	[sflag:s7] =	ssyncset.done @!p0 $0x0  }
0xce: {  	[sflag:s7] =	ssyncadd.s32 @!p0 $0xFFFFC180  }
0xcf: {  	_ =	sfence.sel $0x180000  }
0xd0: {  	[bflag:$0x0] =	sbarrier.arrive $0xFFFF  }
0xd1: {  	_ =	strace $0x9000004A  }
0xd2: {  	s0 =	stileid.u32;
	[bflag:$0x2] =	sbarrier.arrive $0xFFFF  }
0xd3: {  	p0 =	sne.s32 s0, $0x0;
	s0 =	rddreg [dreg:$0x3]  }
0xd4: {  	s0 =	sadd.s32 @!p0 $0x100000, s0  }
0xd5: {  	[sflag:s0] =	ssyncadd.tile.s32 @!p0 $0x1;
	_ =	shalt  }
.Lfunc_end2:
_tile_overlayer_lowered:
.L_overlay_start_2:
0xd6: {  	(tag) =	ssettag $0x2  }
0xd7: {  	s0 =	rddreg [dreg:$0x0];
	s2 =	stileid.u32  }
0xd8: {  	s1 =	rddreg [dreg:$0x1];
	p0 =	sne.s32 s2, $0x0  }
0xd9: {  	s3 =	rddreg [dreg:$0x2];
	[bflag:$0x3] =	sbarrier.arrive $0xFFFF;
	s2 =	simm.s32 @!p0 $0x1C07  }
0xda: {  	[timem:s3], [sflag:s2] =	dma.local @!p0 [hbm:s0], s1  }
0xdb: {  	s0 =	simm.s32 @!p0 $0x7  }
0xdc: {  	_ =	swait.ge @!p0 [sflag:s0], s1  }
0xdd: {  	s1 =	ssub.s32 @!p0 $0x0, s1;
	[sflag:s0] =	ssyncset.done @!p0 $0x0  }
0xde: {  	[sflag:s0] =	ssyncadd.s32 @!p0 s1  }
0xdf: {  	[bflag:$0x3] =	sbarrier.arrive $0xFFFF  }
0xe0: {  	_ =	shalt  }

</sc_bundles>
